<compile_context>
chip_gen: v7x
topology: tpu7x:2x2x1
jax: 0.10.2.dev20260603
libtpu: 0.0.44.dev20260713+nightly
codegen_flags: <defaults>
</compile_context>

<pallas_src>
import functools

import jax
import jax.numpy as jnp
from jax import lax
from jax.experimental import pallas as pl
from jax.experimental.pallas import tpu as pltpu
from jax.experimental.pallas import tpu_sc as plsc

_B = 64
_C = 384
_ROWS_PER_WORKER = 8
_NUM_ACTIVE = 16


def _sc_gather(y, gammas_table, betas_table):
    mesh = plsc.VectorSubcoreMesh(core_axis_name="c", subcore_axis_name="s")

    @functools.partial(
        pl.kernel,
        out_type=[
            jax.ShapeDtypeStruct((_B, _C), jnp.float32),
            jax.ShapeDtypeStruct((_B, _C), jnp.float32),
        ],
        mesh=mesh,
        scratch_types=[
            pltpu.VMEM((_ROWS_PER_WORKER,), jnp.int32),
            pltpu.VMEM((_ROWS_PER_WORKER, _C), jnp.float32),
            pltpu.SemaphoreType.DMA,
        ],
    )
    def gather_kernel(y_hbm, gt_hbm, bt_hbm, g_out, b_out, idx_v, rows_v, sem):
        wid = lax.axis_index("s") * 2 + lax.axis_index("c")
        base = (wid % 8) * _ROWS_PER_WORKER

        @pl.when(wid < 8)
        def _():
            pltpu.sync_copy(y_hbm.at[pl.ds(base, _ROWS_PER_WORKER)], idx_v)
            pltpu.async_copy(gt_hbm.at[idx_v], rows_v, sem).wait()
            pltpu.sync_copy(rows_v, g_out.at[pl.ds(base, _ROWS_PER_WORKER)])

        @pl.when((wid >= 8) & (wid < _NUM_ACTIVE))
        def _():
            pltpu.sync_copy(y_hbm.at[pl.ds(base, _ROWS_PER_WORKER)], idx_v)
            pltpu.async_copy(bt_hbm.at[idx_v], rows_v, sem).wait()
            pltpu.sync_copy(rows_v, b_out.at[pl.ds(base, _ROWS_PER_WORKER)])

    return gather_kernel(y, gammas_table, betas_table)


_PB = 56
_NBUF = 4


def _film_ring_body(xt_ref, g_ref, b_ref, o_ref, xbuf, obuf, insem, outsem):
    p = xt_ref.shape[0]
    nchunks = p // _PB
    g = g_ref[...]
    b = b_ref[...]

    for k in range(_NBUF):
        pltpu.make_async_copy(
            xt_ref.at[pl.ds(k * _PB, _PB)], xbuf.at[k], insem.at[k]
        ).start()

    for j in range(nchunks):
        slot = j % _NBUF
        pltpu.make_async_copy(
            xt_ref.at[pl.ds(j * _PB, _PB)], xbuf.at[slot], insem.at[slot]
        ).wait()

        if j >= _NBUF:
            pltpu.make_async_copy(
                obuf.at[slot], o_ref.at[pl.ds(0, _PB)], outsem.at[slot]
            ).wait()

        obuf[slot] = xbuf[slot] * g + b

        pltpu.make_async_copy(
            obuf.at[slot], o_ref.at[pl.ds(j * _PB, _PB)], outsem.at[slot]
        ).start(priority=1)

        if j + _NBUF < nchunks:
            pltpu.make_async_copy(
                xt_ref.at[pl.ds((j + _NBUF) * _PB, _PB)],
                xbuf.at[slot],
                insem.at[slot],
            ).start()

    for k in range(_NBUF):
        pltpu.make_async_copy(
            obuf.at[k], o_ref.at[pl.ds(0, _PB)], outsem.at[k]
        ).wait()


def _film_planes(xt, g, b):
    p, bsz, c = xt.shape
    return pl.pallas_call(
        _film_ring_body,
        in_specs=[
            pl.BlockSpec(memory_space=pltpu.HBM),
            pl.BlockSpec(memory_space=pltpu.VMEM),
            pl.BlockSpec(memory_space=pltpu.VMEM),
        ],
        out_specs=pl.BlockSpec(memory_space=pltpu.HBM),
        out_shape=jax.ShapeDtypeStruct((p, bsz, c), xt.dtype),
        scratch_shapes=[
            pltpu.VMEM((_NBUF, _PB, bsz, c), jnp.float32),
            pltpu.VMEM((_NBUF, _PB, bsz, c), jnp.float32),
            pltpu.SemaphoreType.DMA((_NBUF,)),
            pltpu.SemaphoreType.DMA((_NBUF,)),
        ],
        compiler_params=pltpu.CompilerParams(
            vmem_limit_bytes=100 * 1024 * 1024,
        ),
    )(xt, g, b)


def kernel(x, y, gammas_table, betas_table):
    g, b = _sc_gather(y.astype(jnp.int32), gammas_table, betas_table)
    bsz, c, h, w = x.shape
    xt = jnp.transpose(x, (2, 3, 0, 1)).reshape(h * w, bsz, c)
    ot = _film_planes(xt, g, b)
    out = jnp.transpose(ot.reshape(h, w, bsz, c), (2, 3, 0, 1))
    return (out, y)

# --- scband reference (transcript-rebuilt; emitter-appended) ---
"""Pipeline reference for scband-i-categorical-fi-lm-71476845740577 (READ-ONLY COPY).

The authoritative reference and input builder live on the scoring server;
editing this copy changes nothing except your own understanding.
"""

import jax, jax.numpy as jnp
import numpy as np


def setup_inputs(seed: int = 0) -> dict:
    key = jax.random.key(seed)
    k1, k2, k3, k4 = jax.random.split(key, 4)
    x = jax.random.normal(k1, (64, 384, 28, 28), dtype=jnp.float32)
    y = jax.random.randint(k2, (64,), 0, 1000, dtype=jnp.int64)
    # learned parameters: nn.Embedding(num_classes=1000, channels=384) x2
    gammas_table = jax.random.normal(k3, (1000, 384), dtype=jnp.float32)
    betas_table = jax.random.normal(k4, (1000, 384), dtype=jnp.float32)
    return {"x": x, "y": y, "gammas_table": gammas_table, "betas_table": betas_table}


def reference(x, y, gammas_table, betas_table):
    # gather per-class FiLM parameters (embedding lookup)
    g = jnp.take(gammas_table, y, axis=0)  # [B, C]
    b = jnp.take(betas_table, y, axis=0)   # [B, C]
    # FiLM: out = gamma * x + beta, broadcast over spatial dims
    out = x * g[:, :, None, None] + b[:, :, None, None]
    return (out, y)

if __name__ == "__main__":
    import jax
    _d = setup_inputs()
    print(jax.jit(kernel)(*tuple(_d.values())))

</pallas_src>

<mosaic_0001>
#map = affine_map<(d0, d1) -> (0)>
#map1 = affine_map<(d0, d1) -> (0, 0)>
module attributes {stable_mosaic.version = 14 : i64} {
  func.func @gather_kernel(%arg0: i32, %arg1: i32, %arg2: memref<64xi32, #tpu.memory_space<hbm>>, %arg3: memref<1000x384xf32, #tpu.memory_space<hbm>>, %arg4: memref<1000x384xf32, #tpu.memory_space<hbm>>, %arg5: memref<64x384xf32, #tpu.memory_space<hbm>>, %arg6: memref<64x384xf32, #tpu.memory_space<hbm>>, %arg7: memref<8xi32, #tpu.memory_space<vmem>>, %arg8: memref<8x384xf32, #tpu.memory_space<vmem>>, %arg9: memref<!tpu.dma_semaphore, #tpu.memory_space<semaphore_mem>>) attributes {dimension_semantics = [#tpu.dimension_semantics<core_parallel>, #tpu.dimension_semantics<subcore_parallel>], iteration_bounds = array<i64: 2, 16>, scalar_prefetch = 0 : i64, scratch_operands = 3 : i64, tpu.core_type = #tpu.core_type<sc_vector_subcore>, window_params = [{transform_indices = #map}, {transform_indices = #map1}, {transform_indices = #map1}, {transform_indices = #map1}, {transform_indices = #map1}]} {
    %mul3A = arith.constant 2 : i32
    %mul3A_0 = arith.muli %arg1, %mul3A : i32
    %add3A = arith.addi %mul3A_0, %arg0 : i32
    %jit3A = arith.constant 8 : i32
    %eq3A = arith.constant 0 : i32
    %eq3A_1 = arith.cmpi eq, %jit3A, %eq3A : i32
    %jit3A_2 = arith.constant 1 : i32
    %select_n3A = arith.select %eq3A_1, %jit3A_2, %jit3A : i32
    %rem3A = arith.remsi %add3A, %select_n3A : i32
    %ne3A = arith.constant 0 : i32
    %ne3A_3 = arith.cmpi ne, %rem3A, %ne3A : i32
    %lt3A = arith.constant 0 : i32
    %lt3A_4 = arith.cmpi slt, %rem3A, %lt3A : i32
    %lt3A_5 = arith.constant 0 : i32
    %lt3A_6 = arith.cmpi slt, %select_n3A, %lt3A_5 : i32
    %ne3A_7 = arith.xori %lt3A_4, %lt3A_6 : i1
    %and3A = arith.andi %ne3A_7, %ne3A_3 : i1
    %add3A_8 = arith.addi %rem3A, %select_n3A : i32
    %select_n3A_9 = arith.select %and3A, %add3A_8, %rem3A : i32
    %mul3A_10 = arith.constant 8 : i32
    %mul3A_11 = arith.muli %select_n3A_9, %mul3A_10 : i32
    %lt3A_12 = arith.constant 8 : i32
    %lt3A_13 = arith.cmpi slt, %add3A, %lt3A_12 : i32
    %convert_element_type3A = arith.extui %lt3A_13 : i1 to i32
    %cond3A = arith.constant 0 : i32
    %cond3A_14 = arith.cmpi ne, %convert_element_type3A, %cond3A : i32
    scf.if %cond3A_14 {
      "tpu.region"() ({
        %run_scoped3A = tpu.sem_alloc : memref<!tpu.dma_semaphore, #tpu.memory_space<semaphore_mem>>
        %dma_start3A_26 = tpu.memref_slice %arg2[%mul3A_11] : memref<64xi32, #tpu.memory_space<hbm>> -> memref<8xi32, #tpu.memory_space<hbm>>
        %dma_start3A_27 = tpu.memref_slice %arg2[%mul3A_11] : memref<64xi32, #tpu.memory_space<hbm>> -> memref<8xi32, #tpu.memory_space<hbm>>
        tpu.enqueue_dma source(%dma_start3A_27 : memref<8xi32, #tpu.memory_space<hbm>>) target(%arg7 : memref<8xi32, #tpu.memory_space<vmem>>) target_semaphore(%run_scoped3A : memref<!tpu.dma_semaphore, #tpu.memory_space<semaphore_mem>>)
        %dma_wait3A_28 = tpu.memref_slice %arg2[%mul3A_11] : memref<64xi32, #tpu.memory_space<hbm>> -> memref<8xi32, #tpu.memory_space<hbm>>
        %dma_wait3A_29 = tpu.memref_slice %arg2[%mul3A_11] : memref<64xi32, #tpu.memory_space<hbm>> -> memref<8xi32, #tpu.memory_space<hbm>>
        tpu.wait_dma2 semaphore(%run_scoped3A : memref<!tpu.dma_semaphore, #tpu.memory_space<semaphore_mem>>) src(%dma_wait3A_29 : memref<8xi32, #tpu.memory_space<hbm>>) dst(%arg7 : memref<8xi32, #tpu.memory_space<vmem>>)
        tpu.yield
      }) : () -> ()
      %dma_start3A = arith.constant 0 : i32
      %dma_start3A_22 = arith.constant 0 : i32
      %dma_start3A_23 = tpu.memref_slice %arg3[%dma_start3A, %dma_start3A_22] : memref<1000x384xf32, #tpu.memory_space<hbm>> -> memref<1000x384xf32, #tpu.memory_space<hbm>>
      tpu.enqueue_indirect_dma source(%dma_start3A_23 : memref<1000x384xf32, #tpu.memory_space<hbm>>) target(%arg8 : memref<8x384xf32, #tpu.memory_space<vmem>>) offsets(%arg7 : memref<8xi32, #tpu.memory_space<vmem>>) semaphore(%arg9 : memref<!tpu.dma_semaphore, #tpu.memory_space<semaphore_mem>>)
      %dma_wait3A = arith.constant 0 : i32
      %dma_wait3A_24 = arith.constant 0 : i32
      %dma_wait3A_25 = tpu.memref_slice %arg3[%dma_wait3A, %dma_wait3A_24] : memref<1000x384xf32, #tpu.memory_space<hbm>> -> memref<1000x384xf32, #tpu.memory_space<hbm>>
      tpu.wait_indirect_dma semaphore(%arg9 : memref<!tpu.dma_semaphore, #tpu.memory_space<semaphore_mem>>) src(%dma_wait3A_25 : memref<1000x384xf32, #tpu.memory_space<hbm>>) dst(%arg8 : memref<8x384xf32, #tpu.memory_space<vmem>>)
      "tpu.region"() ({
        %run_scoped3A = tpu.sem_alloc : memref<!tpu.dma_semaphore, #tpu.memory_space<semaphore_mem>>
        %dma_start3A_26 = arith.constant 0 : i32
        %dma_start3A_27 = tpu.memref_slice %arg5[%mul3A_11, %dma_start3A_26] : memref<64x384xf32, #tpu.memory_space<hbm>> -> memref<8x384xf32, #tpu.memory_space<hbm>>
        %dma_start3A_28 = arith.constant 0 : i32
        %dma_start3A_29 = tpu.memref_slice %arg5[%mul3A_11, %dma_start3A_28] : memref<64x384xf32, #tpu.memory_space<hbm>> -> memref<8x384xf32, #tpu.memory_space<hbm>>
        tpu.enqueue_dma source(%arg8 : memref<8x384xf32, #tpu.memory_space<vmem>>) target(%dma_start3A_29 : memref<8x384xf32, #tpu.memory_space<hbm>>) target_semaphore(%run_scoped3A : memref<!tpu.dma_semaphore, #tpu.memory_space<semaphore_mem>>)
        %dma_wait3A_30 = arith.constant 0 : i32
        %dma_wait3A_31 = tpu.memref_slice %arg5[%mul3A_11, %dma_wait3A_30] : memref<64x384xf32, #tpu.memory_space<hbm>> -> memref<8x384xf32, #tpu.memory_space<hbm>>
        %dma_wait3A_32 = arith.constant 0 : i32
        %dma_wait3A_33 = tpu.memref_slice %arg5[%mul3A_11, %dma_wait3A_32] : memref<64x384xf32, #tpu.memory_space<hbm>> -> memref<8x384xf32, #tpu.memory_space<hbm>>
        tpu.wait_dma2 semaphore(%run_scoped3A : memref<!tpu.dma_semaphore, #tpu.memory_space<semaphore_mem>>) src(%arg8 : memref<8x384xf32, #tpu.memory_space<vmem>>) dst(%dma_wait3A_33 : memref<8x384xf32, #tpu.memory_space<hbm>>)
        tpu.yield
      }) : () -> ()
    } else {
    }
    %ge3A = arith.constant 8 : i32
    %ge3A_15 = arith.cmpi sge, %add3A, %ge3A : i32
    %lt3A_16 = arith.constant 16 : i32
    %lt3A_17 = arith.cmpi slt, %add3A, %lt3A_16 : i32
    %and3A_18 = arith.andi %ge3A_15, %lt3A_17 : i1
    %convert_element_type3A_19 = arith.extui %and3A_18 : i1 to i32
    %cond3A_20 = arith.constant 0 : i32
    %cond3A_21 = arith.cmpi ne, %convert_element_type3A_19, %cond3A_20 : i32
    scf.if %cond3A_21 {
      "tpu.region"() ({
        %run_scoped3A = tpu.sem_alloc : memref<!tpu.dma_semaphore, #tpu.memory_space<semaphore_mem>>
        %dma_start3A_26 = tpu.memref_slice %arg2[%mul3A_11] : memref<64xi32, #tpu.memory_space<hbm>> -> memref<8xi32, #tpu.memory_space<hbm>>
        %dma_start3A_27 = tpu.memref_slice %arg2[%mul3A_11] : memref<64xi32, #tpu.memory_space<hbm>> -> memref<8xi32, #tpu.memory_space<hbm>>
        tpu.enqueue_dma source(%dma_start3A_27 : memref<8xi32, #tpu.memory_space<hbm>>) target(%arg7 : memref<8xi32, #tpu.memory_space<vmem>>) target_semaphore(%run_scoped3A : memref<!tpu.dma_semaphore, #tpu.memory_space<semaphore_mem>>)
        %dma_wait3A_28 = tpu.memref_slice %arg2[%mul3A_11] : memref<64xi32, #tpu.memory_space<hbm>> -> memref<8xi32, #tpu.memory_space<hbm>>
        %dma_wait3A_29 = tpu.memref_slice %arg2[%mul3A_11] : memref<64xi32, #tpu.memory_space<hbm>> -> memref<8xi32, #tpu.memory_space<hbm>>
        tpu.wait_dma2 semaphore(%run_scoped3A : memref<!tpu.dma_semaphore, #tpu.memory_space<semaphore_mem>>) src(%dma_wait3A_29 : memref<8xi32, #tpu.memory_space<hbm>>) dst(%arg7 : memref<8xi32, #tpu.memory_space<vmem>>)
        tpu.yield
      }) : () -> ()
      %dma_start3A = arith.constant 0 : i32
      %dma_start3A_22 = arith.constant 0 : i32
      %dma_start3A_23 = tpu.memref_slice %arg4[%dma_start3A, %dma_start3A_22] : memref<1000x384xf32, #tpu.memory_space<hbm>> -> memref<1000x384xf32, #tpu.memory_space<hbm>>
      tpu.enqueue_indirect_dma source(%dma_start3A_23 : memref<1000x384xf32, #tpu.memory_space<hbm>>) target(%arg8 : memref<8x384xf32, #tpu.memory_space<vmem>>) offsets(%arg7 : memref<8xi32, #tpu.memory_space<vmem>>) semaphore(%arg9 : memref<!tpu.dma_semaphore, #tpu.memory_space<semaphore_mem>>)
      %dma_wait3A = arith.constant 0 : i32
      %dma_wait3A_24 = arith.constant 0 : i32
      %dma_wait3A_25 = tpu.memref_slice %arg4[%dma_wait3A, %dma_wait3A_24] : memref<1000x384xf32, #tpu.memory_space<hbm>> -> memref<1000x384xf32, #tpu.memory_space<hbm>>
      tpu.wait_indirect_dma semaphore(%arg9 : memref<!tpu.dma_semaphore, #tpu.memory_space<semaphore_mem>>) src(%dma_wait3A_25 : memref<1000x384xf32, #tpu.memory_space<hbm>>) dst(%arg8 : memref<8x384xf32, #tpu.memory_space<vmem>>)
      "tpu.region"() ({
        %run_scoped3A = tpu.sem_alloc : memref<!tpu.dma_semaphore, #tpu.memory_space<semaphore_mem>>
        %dma_start3A_26 = arith.constant 0 : i32
        %dma_start3A_27 = tpu.memref_slice %arg6[%mul3A_11, %dma_start3A_26] : memref<64x384xf32, #tpu.memory_space<hbm>> -> memref<8x384xf32, #tpu.memory_space<hbm>>
        %dma_start3A_28 = arith.constant 0 : i32
        %dma_start3A_29 = tpu.memref_slice %arg6[%mul3A_11, %dma_start3A_28] : memref<64x384xf32, #tpu.memory_space<hbm>> -> memref<8x384xf32, #tpu.memory_space<hbm>>
        tpu.enqueue_dma source(%arg8 : memref<8x384xf32, #tpu.memory_space<vmem>>) target(%dma_start3A_29 : memref<8x384xf32, #tpu.memory_space<hbm>>) target_semaphore(%run_scoped3A : memref<!tpu.dma_semaphore, #tpu.memory_space<semaphore_mem>>)
        %dma_wait3A_30 = arith.constant 0 : i32
        %dma_wait3A_31 = tpu.memref_slice %arg6[%mul3A_11, %dma_wait3A_30] : memref<64x384xf32, #tpu.memory_space<hbm>> -> memref<8x384xf32, #tpu.memory_space<hbm>>
        %dma_wait3A_32 = arith.constant 0 : i32
        %dma_wait3A_33 = tpu.memref_slice %arg6[%mul3A_11, %dma_wait3A_32] : memref<64x384xf32, #tpu.memory_space<hbm>> -> memref<8x384xf32, #tpu.memory_space<hbm>>
        tpu.wait_dma2 semaphore(%run_scoped3A : memref<!tpu.dma_semaphore, #tpu.memory_space<semaphore_mem>>) src(%arg8 : memref<8x384xf32, #tpu.memory_space<vmem>>) dst(%dma_wait3A_33 : memref<8x384xf32, #tpu.memory_space<hbm>>)
        tpu.yield
      }) : () -> ()
    } else {
    }
    return
  }
}

module attributes {stable_mosaic.version = 14 : i64} {
  func.func @_film_ring_body(%arg0: memref<784x64x384xf32, #tpu.memory_space<hbm>>, %arg1: memref<64x384xf32, #tpu.memory_space<vmem>>, %arg2: memref<64x384xf32, #tpu.memory_space<vmem>>, %arg3: memref<784x64x384xf32, #tpu.memory_space<hbm>>, %arg4: memref<4x56x64x384xf32, #tpu.memory_space<vmem>>, %arg5: memref<4x56x64x384xf32, #tpu.memory_space<vmem>>, %arg6: memref<4x!tpu.dma_semaphore, #tpu.memory_space<semaphore_mem>>, %arg7: memref<4x!tpu.dma_semaphore, #tpu.memory_space<semaphore_mem>>) attributes {dimension_semantics = [], scalar_prefetch = 0 : i64, scratch_operands = 4 : i64, tpu.core_type = #tpu.core_type<tc>} {
    %get3A = arith.constant 0 : index
    %get3A_0 = arith.constant 0 : index
    %get3A_1 = vector.load %arg1[%get3A, %get3A_0] : memref<64x384xf32, #tpu.memory_space<vmem>>, vector<64x384xf32>
    %get3A_2 = arith.constant 0 : index
    %get3A_3 = arith.constant 0 : index
    %get3A_4 = vector.load %arg2[%get3A_2, %get3A_3] : memref<64x384xf32, #tpu.memory_space<vmem>>, vector<64x384xf32>
    %dma_start3A = arith.constant 0 : i32
    %dma_start3A_5 = arith.constant 0 : i32
    %dma_start3A_6 = tpu.memref_slice %arg6[%dma_start3A_5] : memref<4x!tpu.dma_semaphore, #tpu.memory_space<semaphore_mem>> -> memref<1x!tpu.dma_semaphore, #tpu.memory_space<semaphore_mem>>
    %dma_start3A_7 = tpu.memref_squeeze %dma_start3A_6 : memref<1x!tpu.dma_semaphore, #tpu.memory_space<semaphore_mem>> -> memref<!tpu.dma_semaphore, #tpu.memory_space<semaphore_mem>>
    %dma_start3A_8 = arith.constant 0 : i32
    %dma_start3A_9 = arith.constant 0 : i32
    %dma_start3A_10 = arith.constant 0 : i32
    %dma_start3A_11 = tpu.memref_slice %arg4[%dma_start3A, %dma_start3A_8, %dma_start3A_9, %dma_start3A_10] : memref<4x56x64x384xf32, #tpu.memory_space<vmem>> -> memref<1x56x64x384xf32, #tpu.memory_space<vmem>>
    %dma_start3A_12 = tpu.memref_squeeze %dma_start3A_11 : memref<1x56x64x384xf32, #tpu.memory_space<vmem>> -> memref<56x64x384xf32, #tpu.memory_space<vmem>>
    %dma_start3A_13 = arith.constant 0 : i32
    %dma_start3A_14 = arith.constant 0 : i32
    %dma_start3A_15 = arith.constant 0 : i32
    %dma_start3A_16 = tpu.memref_slice %arg0[%dma_start3A_13, %dma_start3A_14, %dma_start3A_15] : memref<784x64x384xf32, #tpu.memory_space<hbm>> -> memref<56x64x384xf32, #tpu.memory_space<hbm>>
    tpu.enqueue_dma source(%dma_start3A_16 : memref<56x64x384xf32, #tpu.memory_space<hbm>>) target(%dma_start3A_12 : memref<56x64x384xf32, #tpu.memory_space<vmem>>) target_semaphore(%dma_start3A_7 : memref<!tpu.dma_semaphore, #tpu.memory_space<semaphore_mem>>)
    %dma_start3A_17 = arith.constant 1 : i32
    %dma_start3A_18 = arith.constant 1 : i32
    %dma_start3A_19 = tpu.memref_slice %arg6[%dma_start3A_18] : memref<4x!tpu.dma_semaphore, #tpu.memory_space<semaphore_mem>> -> memref<1x!tpu.dma_semaphore, #tpu.memory_space<semaphore_mem>>
    %dma_start3A_20 = tpu.memref_squeeze %dma_start3A_19 : memref<1x!tpu.dma_semaphore, #tpu.memory_space<semaphore_mem>> -> memref<!tpu.dma_semaphore, #tpu.memory_space<semaphore_mem>>
    %dma_start3A_21 = arith.constant 0 : i32
    %dma_start3A_22 = arith.constant 0 : i32
    %dma_start3A_23 = arith.constant 0 : i32
    %dma_start3A_24 = tpu.memref_slice %arg4[%dma_start3A_17, %dma_start3A_21, %dma_start3A_22, %dma_start3A_23] : memref<4x56x64x384xf32, #tpu.memory_space<vmem>> -> memref<1x56x64x384xf32, #tpu.memory_space<vmem>>
    %dma_start3A_25 = tpu.memref_squeeze %dma_start3A_24 : memref<1x56x64x384xf32, #tpu.memory_space<vmem>> -> memref<56x64x384xf32, #tpu.memory_space<vmem>>
    %dma_start3A_26 = arith.constant 56 : i32
    %dma_start3A_27 = arith.constant 0 : i32
    %dma_start3A_28 = arith.constant 0 : i32
    %dma_start3A_29 = tpu.memref_slice %arg0[%dma_start3A_26, %dma_start3A_27, %dma_start3A_28] : memref<784x64x384xf32, #tpu.memory_space<hbm>> -> memref<56x64x384xf32, #tpu.memory_space<hbm>>
    tpu.enqueue_dma source(%dma_start3A_29 : memref<56x64x384xf32, #tpu.memory_space<hbm>>) target(%dma_start3A_25 : memref<56x64x384xf32, #tpu.memory_space<vmem>>) target_semaphore(%dma_start3A_20 : memref<!tpu.dma_semaphore, #tpu.memory_space<semaphore_mem>>)
    %dma_start3A_30 = arith.constant 2 : i32
    %dma_start3A_31 = arith.constant 2 : i32
    %dma_start3A_32 = tpu.memref_slice %arg6[%dma_start3A_31] : memref<4x!tpu.dma_semaphore, #tpu.memory_space<semaphore_mem>> -> memref<1x!tpu.dma_semaphore, #tpu.memory_space<semaphore_mem>>
    %dma_start3A_33 = tpu.memref_squeeze %dma_start3A_32 : memref<1x!tpu.dma_semaphore, #tpu.memory_space<semaphore_mem>> -> memref<!tpu.dma_semaphore, #tpu.memory_space<semaphore_mem>>
    %dma_start3A_34 = arith.constant 0 : i32
    %dma_start3A_35 = arith.constant 0 : i32
    %dma_start3A_36 = arith.constant 0 : i32
    %dma_start3A_37 = tpu.memref_slice %arg4[%dma_start3A_30, %dma_start3A_34, %dma_start3A_35, %dma_start3A_36] : memref<4x56x64x384xf32, #tpu.memory_space<vmem>> -> memref<1x56x64x384xf32, #tpu.memory_space<vmem>>
    %dma_start3A_38 = tpu.memref_squeeze %dma_start3A_37 : memref<1x56x64x384xf32, #tpu.memory_space<vmem>> -> memref<56x64x384xf32, #tpu.memory_space<vmem>>
    %dma_start3A_39 = arith.constant 112 : i32
    %dma_start3A_40 = arith.constant 0 : i32
    %dma_start3A_41 = arith.constant 0 : i32
    %dma_start3A_42 = tpu.memref_slice %arg0[%dma_start3A_39, %dma_start3A_40, %dma_start3A_41] : memref<784x64x384xf32, #tpu.memory_space<hbm>> -> memref<56x64x384xf32, #tpu.memory_space<hbm>>
    tpu.enqueue_dma source(%dma_start3A_42 : memref<56x64x384xf32, #tpu.memory_space<hbm>>) target(%dma_start3A_38 : memref<56x64x384xf32, #tpu.memory_space<vmem>>) target_semaphore(%dma_start3A_33 : memref<!tpu.dma_semaphore, #tpu.memory_space<semaphore_mem>>)
    %dma_start3A_43 = arith.constant 3 : i32
    %dma_start3A_44 = arith.constant 3 : i32
    %dma_start3A_45 = tpu.memref_slice %arg6[%dma_start3A_44] : memref<4x!tpu.dma_semaphore, #tpu.memory_space<semaphore_mem>> -> memref<1x!tpu.dma_semaphore, #tpu.memory_space<semaphore_mem>>
    %dma_start3A_46 = tpu.memref_squeeze %dma_start3A_45 : memref<1x!tpu.dma_semaphore, #tpu.memory_space<semaphore_mem>> -> memref<!tpu.dma_semaphore, #tpu.memory_space<semaphore_mem>>
    %dma_start3A_47 = arith.constant 0 : i32
    %dma_start3A_48 = arith.constant 0 : i32
    %dma_start3A_49 = arith.constant 0 : i32
    %dma_start3A_50 = tpu.memref_slice %arg4[%dma_start3A_43, %dma_start3A_47, %dma_start3A_48, %dma_start3A_49] : memref<4x56x64x384xf32, #tpu.memory_space<vmem>> -> memref<1x56x64x384xf32, #tpu.memory_space<vmem>>
    %dma_start3A_51 = tpu.memref_squeeze %dma_start3A_50 : memref<1x56x64x384xf32, #tpu.memory_space<vmem>> -> memref<56x64x384xf32, #tpu.memory_space<vmem>>
    %dma_start3A_52 = arith.constant 168 : i32
    %dma_start3A_53 = arith.constant 0 : i32
    %dma_start3A_54 = arith.constant 0 : i32
    %dma_start3A_55 = tpu.memref_slice %arg0[%dma_start3A_52, %dma_start3A_53, %dma_start3A_54] : memref<784x64x384xf32, #tpu.memory_space<hbm>> -> memref<56x64x384xf32, #tpu.memory_space<hbm>>
    tpu.enqueue_dma source(%dma_start3A_55 : memref<56x64x384xf32, #tpu.memory_space<hbm>>) target(%dma_start3A_51 : memref<56x64x384xf32, #tpu.memory_space<vmem>>) target_semaphore(%dma_start3A_46 : memref<!tpu.dma_semaphore, #tpu.memory_space<semaphore_mem>>)
    %dma_wait3A = arith.constant 0 : i32
    %dma_wait3A_56 = arith.constant 0 : i32
    %dma_wait3A_57 = tpu.memref_slice %arg6[%dma_wait3A_56] : memref<4x!tpu.dma_semaphore, #tpu.memory_space<semaphore_mem>> -> memref<1x!tpu.dma_semaphore, #tpu.memory_space<semaphore_mem>>
    %dma_wait3A_58 = tpu.memref_squeeze %dma_wait3A_57 : memref<1x!tpu.dma_semaphore, #tpu.memory_space<semaphore_mem>> -> memref<!tpu.dma_semaphore, #tpu.memory_space<semaphore_mem>>
    %dma_wait3A_59 = arith.constant 0 : i32
    %dma_wait3A_60 = arith.constant 0 : i32
    %dma_wait3A_61 = arith.constant 0 : i32
    %dma_wait3A_62 = tpu.memref_slice %arg4[%dma_wait3A, %dma_wait3A_59, %dma_wait3A_60, %dma_wait3A_61] : memref<4x56x64x384xf32, #tpu.memory_space<vmem>> -> memref<1x56x64x384xf32, #tpu.memory_space<vmem>>
    %dma_wait3A_63 = tpu.memref_squeeze %dma_wait3A_62 : memref<1x56x64x384xf32, #tpu.memory_space<vmem>> -> memref<56x64x384xf32, #tpu.memory_space<vmem>>
    %dma_wait3A_64 = arith.constant 0 : i32
    %dma_wait3A_65 = arith.constant 0 : i32
    %dma_wait3A_66 = arith.constant 0 : i32
    %dma_wait3A_67 = tpu.memref_slice %arg0[%dma_wait3A_64, %dma_wait3A_65, %dma_wait3A_66] : memref<784x64x384xf32, #tpu.memory_space<hbm>> -> memref<56x64x384xf32, #tpu.memory_space<hbm>>
    tpu.wait_dma2 semaphore(%dma_wait3A_58 : memref<!tpu.dma_semaphore, #tpu.memory_space<semaphore_mem>>) src(%dma_wait3A_67 : memref<56x64x384xf32, #tpu.memory_space<hbm>>) dst(%dma_wait3A_63 : memref<56x64x384xf32, #tpu.memory_space<vmem>>)
    %get3A_68 = arith.constant 0 : index
    %get3A_69 = arith.constant 0 : index
    %get3A_70 = arith.constant 0 : index
    %get3A_71 = arith.constant 0 : index
    %get3A_72 = vector.load %arg4[%get3A_68, %get3A_69, %get3A_70, %get3A_71] : memref<4x56x64x384xf32, #tpu.memory_space<vmem>>, vector<1x56x64x384xf32>
    %get3A_73 = vector.shape_cast %get3A_72 : vector<1x56x64x384xf32> to vector<56x64x384xf32>
    %broadcast_in_dim3A = vector.shape_cast %get3A_1 : vector<64x384xf32> to vector<1x64x384xf32>
    %mul3A = vector.broadcast %broadcast_in_dim3A : vector<1x64x384xf32> to vector<56x64x384xf32>
    %mul3A_74 = arith.mulf %get3A_73, %mul3A : vector<56x64x384xf32>
    %broadcast_in_dim3A_75 = vector.shape_cast %get3A_4 : vector<64x384xf32> to vector<1x64x384xf32>
    %add3A = vector.broadcast %broadcast_in_dim3A_75 : vector<1x64x384xf32> to vector<56x64x384xf32>
    %add3A_76 = arith.addf %mul3A_74, %add3A : vector<56x64x384xf32>
    %swap3A = arith.constant 0 : index
    %swap3A_77 = arith.constant 0 : index
    %swap3A_78 = arith.constant 0 : index
    %swap3A_79 = arith.constant 0 : index
    %swap3A_80 = vector.load %arg5[%swap3A, %swap3A_77, %swap3A_78, %swap3A_79] : memref<4x56x64x384xf32, #tpu.memory_space<vmem>>, vector<1x56x64x384xf32>
    %swap3A_81 = vector.shape_cast %swap3A_80 : vector<1x56x64x384xf32> to vector<56x64x384xf32>
    %swap3A_82 = vector.shape_cast %add3A_76 : vector<56x64x384xf32> to vector<1x56x64x384xf32>
    tpu.vector_store %arg5[%swap3A, %swap3A_77, %swap3A_78, %swap3A_79], %swap3A_82 {strides = array<i32>} : memref<4x56x64x384xf32, #tpu.memory_space<vmem>>, vector<1x56x64x384xf32>,
    %dma_start3A_83 = arith.constant 0 : i32
    %dma_start3A_84 = arith.constant 0 : i32
    %dma_start3A_85 = tpu.memref_slice %arg7[%dma_start3A_84] : memref<4x!tpu.dma_semaphore, #tpu.memory_space<semaphore_mem>> -> memref<1x!tpu.dma_semaphore, #tpu.memory_space<semaphore_mem>>
    %dma_start3A_86 = tpu.memref_squeeze %dma_start3A_85 : memref<1x!tpu.dma_semaphore, #tpu.memory_space<semaphore_mem>> -> memref<!tpu.dma_semaphore, #tpu.memory_space<semaphore_mem>>
    %dma_start3A_87 = arith.constant 0 : i32
    %dma_start3A_88 = arith.constant 0 : i32
    %dma_start3A_89 = arith.constant 0 : i32
    %dma_start3A_90 = tpu.memref_slice %arg3[%dma_start3A_87, %dma_start3A_88, %dma_start3A_89] : memref<784x64x384xf32, #tpu.memory_space<hbm>> -> memref<56x64x384xf32, #tpu.memory_space<hbm>>
    %dma_start3A_91 = arith.constant 0 : i32
    %dma_start3A_92 = arith.constant 0 : i32
    %dma_start3A_93 = arith.constant 0 : i32
    %dma_start3A_94 = tpu.memref_slice %arg5[%dma_start3A_83, %dma_start3A_91, %dma_start3A_92, %dma_start3A_93] : memref<4x56x64x384xf32, #tpu.memory_space<vmem>> -> memref<1x56x64x384xf32, #tpu.memory_space<vmem>>
    %dma_start3A_95 = tpu.memref_squeeze %dma_start3A_94 : memref<1x56x64x384xf32, #tpu.memory_space<vmem>> -> memref<56x64x384xf32, #tpu.memory_space<vmem>>
    tpu.enqueue_dma source(%dma_start3A_95 : memref<56x64x384xf32, #tpu.memory_space<vmem>>) target(%dma_start3A_90 : memref<56x64x384xf32, #tpu.memory_space<hbm>>) target_semaphore(%dma_start3A_86 : memref<!tpu.dma_semaphore, #tpu.memory_space<semaphore_mem>>) {priority = 1 : i32}
    %dma_start3A_96 = arith.constant 0 : i32
    %dma_start3A_97 = arith.constant 0 : i32
    %dma_start3A_98 = tpu.memref_slice %arg6[%dma_start3A_97] : memref<4x!tpu.dma_semaphore, #tpu.memory_space<semaphore_mem>> -> memref<1x!tpu.dma_semaphore, #tpu.memory_space<semaphore_mem>>
    %dma_start3A_99 = tpu.memref_squeeze %dma_start3A_98 : memref<1x!tpu.dma_semaphore, #tpu.memory_space<semaphore_mem>> -> memref<!tpu.dma_semaphore, #tpu.memory_space<semaphore_mem>>
    %dma_start3A_100 = arith.constant 0 : i32
    %dma_start3A_101 = arith.constant 0 : i32
    %dma_start3A_102 = arith.constant 0 : i32
    %dma_start3A_103 = tpu.memref_slice %arg4[%dma_start3A_96, %dma_start3A_100, %dma_start3A_101, %dma_start3A_102] : memref<4x56x64x384xf32, #tpu.memory_space<vmem>> -> memref<1x56x64x384xf32, #tpu.memory_space<vmem>>
    %dma_start3A_104 = tpu.memref_squeeze %dma_start3A_103 : memref<1x56x64x384xf32, #tpu.memory_space<vmem>> -> memref<56x64x384xf32, #tpu.memory_space<vmem>>
    %dma_start3A_105 = arith.constant 224 : i32
    %dma_start3A_106 = arith.constant 0 : i32
    %dma_start3A_107 = arith.constant 0 : i32
    %dma_start3A_108 = tpu.memref_slice %arg0[%dma_start3A_105, %dma_start3A_106, %dma_start3A_107] : memref<784x64x384xf32, #tpu.memory_space<hbm>> -> memref<56x64x384xf32, #tpu.memory_space<hbm>>
    tpu.enqueue_dma source(%dma_start3A_108 : memref<56x64x384xf32, #tpu.memory_space<hbm>>) target(%dma_start3A_104 : memref<56x64x384xf32, #tpu.memory_space<vmem>>) target_semaphore(%dma_start3A_99 : memref<!tpu.dma_semaphore, #tpu.memory_space<semaphore_mem>>)
    %dma_wait3A_109 = arith.constant 1 : i32
    %dma_wait3A_110 = arith.constant 1 : i32
    %dma_wait3A_111 = tpu.memref_slice %arg6[%dma_wait3A_110] : memref<4x!tpu.dma_semaphore, #tpu.memory_space<semaphore_mem>> -> memref<1x!tpu.dma_semaphore, #tpu.memory_space<semaphore_mem>>
    %dma_wait3A_112 = tpu.memref_squeeze %dma_wait3A_111 : memref<1x!tpu.dma_semaphore, #tpu.memory_space<semaphore_mem>> -> memref<!tpu.dma_semaphore, #tpu.memory_space<semaphore_mem>>
    %dma_wait3A_113 = arith.constant 0 : i32
    %dma_wait3A_114 = arith.constant 0 : i32
    %dma_wait3A_115 = arith.constant 0 : i32
    %dma_wait3A_116 = tpu.memref_slice %arg4[%dma_wait3A_109, %dma_wait3A_113, %dma_wait3A_114, %dma_wait3A_115] : memref<4x56x64x384xf32, #tpu.memory_space<vmem>> -> memref<1x56x64x384xf32, #tpu.memory_space<vmem>>
    %dma_wait3A_117 = tpu.memref_squeeze %dma_wait3A_116 : memref<1x56x64x384xf32, #tpu.memory_space<vmem>> -> memref<56x64x384xf32, #tpu.memory_space<vmem>>
    %dma_wait3A_118 = arith.constant 56 : i32
    %dma_wait3A_119 = arith.constant 0 : i32
    %dma_wait3A_120 = arith.constant 0 : i32
    %dma_wait3A_121 = tpu.memref_slice %arg0[%dma_wait3A_118, %dma_wait3A_119, %dma_wait3A_120] : memref<784x64x384xf32, #tpu.memory_space<hbm>> -> memref<56x64x384xf32, #tpu.memory_space<hbm>>
    tpu.wait_dma2 semaphore(%dma_wait3A_112 : memref<!tpu.dma_semaphore, #tpu.memory_space<semaphore_mem>>) src(%dma_wait3A_121 : memref<56x64x384xf32, #tpu.memory_space<hbm>>) dst(%dma_wait3A_117 : memref<56x64x384xf32, #tpu.memory_space<vmem>>)
    %get3A_122 = arith.constant 1 : index
    %get3A_123 = arith.constant 0 : index
    %get3A_124 = arith.constant 0 : index
    %get3A_125 = arith.constant 0 : index
    %get3A_126 = vector.load %arg4[%get3A_122, %get3A_123, %get3A_124, %get3A_125] : memref<4x56x64x384xf32, #tpu.memory_space<vmem>>, vector<1x56x64x384xf32>
    %get3A_127 = vector.shape_cast %get3A_126 : vector<1x56x64x384xf32> to vector<56x64x384xf32>
    %broadcast_in_dim3A_128 = vector.shape_cast %get3A_1 : vector<64x384xf32> to vector<1x64x384xf32>
    %mul3A_129 = vector.broadcast %broadcast_in_dim3A_128 : vector<1x64x384xf32> to vector<56x64x384xf32>
    %mul3A_130 = arith.mulf %get3A_127, %mul3A_129 : vector<56x64x384xf32>
    %broadcast_in_dim3A_131 = vector.shape_cast %get3A_4 : vector<64x384xf32> to vector<1x64x384xf32>
    %add3A_132 = vector.broadcast %broadcast_in_dim3A_131 : vector<1x64x384xf32> to vector<56x64x384xf32>
    %add3A_133 = arith.addf %mul3A_130, %add3A_132 : vector<56x64x384xf32>
    %swap3A_134 = arith.constant 1 : index
    %swap3A_135 = arith.constant 0 : index
    %swap3A_136 = arith.constant 0 : index
    %swap3A_137 = arith.constant 0 : index
    %swap3A_138 = vector.load %arg5[%swap3A_134, %swap3A_135, %swap3A_136, %swap3A_137] : memref<4x56x64x384xf32, #tpu.memory_space<vmem>>, vector<1x56x64x384xf32>
    %swap3A_139 = vector.shape_cast %swap3A_138 : vector<1x56x64x384xf32> to vector<56x64x384xf32>
    %swap3A_140 = vector.shape_cast %add3A_133 : vector<56x64x384xf32> to vector<1x56x64x384xf32>
    tpu.vector_store %arg5[%swap3A_134, %swap3A_135, %swap3A_136, %swap3A_137], %swap3A_140 {strides = array<i32>} : memref<4x56x64x384xf32, #tpu.memory_space<vmem>>, vector<1x56x64x384xf32>,
    %dma_start3A_141 = arith.constant 1 : i32
    %dma_start3A_142 = arith.constant 1 : i32
    %dma_start3A_143 = tpu.memref_slice %arg7[%dma_start3A_142] : memref<4x!tpu.dma_semaphore, #tpu.memory_space<semaphore_mem>> -> memref<1x!tpu.dma_semaphore, #tpu.memory_space<semaphore_mem>>
    %dma_start3A_144 = tpu.memref_squeeze %dma_start3A_143 : memref<1x!tpu.dma_semaphore, #tpu.memory_space<semaphore_mem>> -> memref<!tpu.dma_semaphore, #tpu.memory_space<semaphore_mem>>
    %dma_start3A_145 = arith.constant 56 : i32
    %dma_start3A_146 = arith.constant 0 : i32
    %dma_start3A_147 = arith.constant 0 : i32
    %dma_start3A_148 = tpu.memref_slice %arg3[%dma_start3A_145, %dma_start3A_146, %dma_start3A_147] : memref<784x64x384xf32, #tpu.memory_space<hbm>> -> memref<56x64x384xf32, #tpu.memory_space<hbm>>
    %dma_start3A_149 = arith.constant 0 : i32
    %dma_start3A_150 = arith.constant 0 : i32
    %dma_start3A_151 = arith.constant 0 : i32
    %dma_start3A_152 = tpu.memref_slice %arg5[%dma_start3A_141, %dma_start3A_149, %dma_start3A_150, %dma_start3A_151] : memref<4x56x64x384xf32, #tpu.memory_space<vmem>> -> memref<1x56x64x384xf32, #tpu.memory_space<vmem>>
    %dma_start3A_153 = tpu.memref_squeeze %dma_start3A_152 : memref<1x56x64x384xf32, #tpu.memory_space<vmem>> -> memref<56x64x384xf32, #tpu.memory_space<vmem>>
    tpu.enqueue_dma source(%dma_start3A_153 : memref<56x64x384xf32, #tpu.memory_space<vmem>>) target(%dma_start3A_148 : memref<56x64x384xf32, #tpu.memory_space<hbm>>) target_semaphore(%dma_start3A_144 : memref<!tpu.dma_semaphore, #tpu.memory_space<semaphore_mem>>) {priority = 1 : i32}
    %dma_start3A_154 = arith.constant 1 : i32
    %dma_start3A_155 = arith.constant 1 : i32
    %dma_start3A_156 = tpu.memref_slice %arg6[%dma_start3A_155] : memref<4x!tpu.dma_semaphore, #tpu.memory_space<semaphore_mem>> -> memref<1x!tpu.dma_semaphore, #tpu.memory_space<semaphore_mem>>
    %dma_start3A_157 = tpu.memref_squeeze %dma_start3A_156 : memref<1x!tpu.dma_semaphore, #tpu.memory_space<semaphore_mem>> -> memref<!tpu.dma_semaphore, #tpu.memory_space<semaphore_mem>>
    %dma_start3A_158 = arith.constant 0 : i32
    %dma_start3A_159 = arith.constant 0 : i32
    %dma_start3A_160 = arith.constant 0 : i32
    %dma_start3A_161 = tpu.memref_slice %arg4[%dma_start3A_154, %dma_start3A_158, %dma_start3A_159, %dma_start3A_160] : memref<4x56x64x384xf32, #tpu.memory_space<vmem>> -> memref<1x56x64x384xf32, #tpu.memory_space<vmem>>
    %dma_start3A_162 = tpu.memref_squeeze %dma_start3A_161 : memref<1x56x64x384xf32, #tpu.memory_space<vmem>> -> memref<56x64x384xf32, #tpu.memory_space<vmem>>
    %dma_start3A_163 = arith.constant 280 : i32
    %dma_start3A_164 = arith.constant 0 : i32
    %dma_start3A_165 = arith.constant 0 : i32
    %dma_start3A_166 = tpu.memref_slice %arg0[%dma_start3A_163, %dma_start3A_164, %dma_start3A_165] : memref<784x64x384xf32, #tpu.memory_space<hbm>> -> memref<56x64x384xf32, #tpu.memory_space<hbm>>
    tpu.enqueue_dma source(%dma_start3A_166 : memref<56x64x384xf32, #tpu.memory_space<hbm>>) target(%dma_start3A_162 : memref<56x64x384xf32, #tpu.memory_space<vmem>>) target_semaphore(%dma_start3A_157 : memref<!tpu.dma_semaphore, #tpu.memory_space<semaphore_mem>>)
    %dma_wait3A_167 = arith.constant 2 : i32
    %dma_wait3A_168 = arith.constant 2 : i32
    %dma_wait3A_169 = tpu.memref_slice %arg6[%dma_wait3A_168] : memref<4x!tpu.dma_semaphore, #tpu.memory_space<semaphore_mem>> -> memref<1x!tpu.dma_semaphore, #tpu.memory_space<semaphore_mem>>
    %dma_wait3A_170 = tpu.memref_squeeze %dma_wait3A_169 : memref<1x!tpu.dma_semaphore, #tpu.memory_space<semaphore_mem>> -> memref<!tpu.dma_semaphore, #tpu.memory_space<semaphore_mem>>
    %dma_wait3A_171 = arith.constant 0 : i32
    %dma_wait3A_172 = arith.constant 0 : i32
    %dma_wait3A_173 = arith.constant 0 : i32
    %dma_wait3A_174 = tpu.memref_slice %arg4[%dma_wait3A_167, %dma_wait3A_171, %dma_wait3A_172, %dma_wait3A_173] : memref<4x56x64x384xf32, #tpu.memory_space<vmem>> -> memref<1x56x64x384xf32, #tpu.memory_space<vmem>>
    %dma_wait3A_175 = tpu.memref_squeeze %dma_wait3A_174 : memref<1x56x64x384xf32, #tpu.memory_space<vmem>> -> memref<56x64x384xf32, #tpu.memory_space<vmem>>
    %dma_wait3A_176 = arith.constant 112 : i32
    %dma_wait3A_177 = arith.constant 0 : i32
    %dma_wait3A_178 = arith.constant 0 : i32
    %dma_wait3A_179 = tpu.memref_slice %arg0[%dma_wait3A_176, %dma_wait3A_177, %dma_wait3A_178] : memref<784x64x384xf32, #tpu.memory_space<hbm>> -> memref<56x64x384xf32, #tpu.memory_space<hbm>>
    tpu.wait_dma2 semaphore(%dma_wait3A_170 : memref<!tpu.dma_semaphore, #tpu.memory_space<semaphore_mem>>) src(%dma_wait3A_179 : memref<56x64x384xf32, #tpu.memory_space<hbm>>) dst(%dma_wait3A_175 : memref<56x64x384xf32, #tpu.memory_space<vmem>>)
    %get3A_180 = arith.constant 2 : index
    %get3A_181 = arith.constant 0 : index
    %get3A_182 = arith.constant 0 : index
    %get3A_183 = arith.constant 0 : index
    %get3A_184 = vector.load %arg4[%get3A_180, %get3A_181, %get3A_182, %get3A_183] : memref<4x56x64x384xf32, #tpu.memory_space<vmem>>, vector<1x56x64x384xf32>
    %get3A_185 = vector.shape_cast %get3A_184 : vector<1x56x64x384xf32> to vector<56x64x384xf32>
    %broadcast_in_dim3A_186 = vector.shape_cast %get3A_1 : vector<64x384xf32> to vector<1x64x384xf32>
    %mul3A_187 = vector.broadcast %broadcast_in_dim3A_186 : vector<1x64x384xf32> to vector<56x64x384xf32>
    %mul3A_188 = arith.mulf %get3A_185, %mul3A_187 : vector<56x64x384xf32>
    %broadcast_in_dim3A_189 = vector.shape_cast %get3A_4 : vector<64x384xf32> to vector<1x64x384xf32>
    %add3A_190 = vector.broadcast %broadcast_in_dim3A_189 : vector<1x64x384xf32> to vector<56x64x384xf32>
    %add3A_191 = arith.addf %mul3A_188, %add3A_190 : vector<56x64x384xf32>
    %swap3A_192 = arith.constant 2 : index
    %swap3A_193 = arith.constant 0 : index
    %swap3A_194 = arith.constant 0 : index
    %swap3A_195 = arith.constant 0 : index
    %swap3A_196 = vector.load %arg5[%swap3A_192, %swap3A_193, %swap3A_194, %swap3A_195] : memref<4x56x64x384xf32, #tpu.memory_space<vmem>>, vector<1x56x64x384xf32>
    %swap3A_197 = vector.shape_cast %swap3A_196 : vector<1x56x64x384xf32> to vector<56x64x384xf32>
    %swap3A_198 = vector.shape_cast %add3A_191 : vector<56x64x384xf32> to vector<1x56x64x384xf32>
    tpu.vector_store %arg5[%swap3A_192, %swap3A_193, %swap3A_194, %swap3A_195], %swap3A_198 {strides = array<i32>} : memref<4x56x64x384xf32, #tpu.memory_space<vmem>>, vector<1x56x64x384xf32>,
    %dma_start3A_199 = arith.constant 2 : i32
    %dma_start3A_200 = arith.constant 2 : i32
    %dma_start3A_201 = tpu.memref_slice %arg7[%dma_start3A_200] : memref<4x!tpu.dma_semaphore, #tpu.memory_space<semaphore_mem>> -> memref<1x!tpu.dma_semaphore, #tpu.memory_space<semaphore_mem>>
    %dma_start3A_202 = tpu.memref_squeeze %dma_start3A_201 : memref<1x!tpu.dma_semaphore, #tpu.memory_space<semaphore_mem>> -> memref<!tpu.dma_semaphore, #tpu.memory_space<semaphore_mem>>
    %dma_start3A_203 = arith.constant 112 : i32
    %dma_start3A_204 = arith.constant 0 : i32
    %dma_start3A_205 = arith.constant 0 : i32
    %dma_start3A_206 = tpu.memref_slice %arg3[%dma_start3A_203, %dma_start3A_204, %dma_start3A_205] : memref<784x64x384xf32, #tpu.memory_space<hbm>> -> memref<56x64x384xf32, #tpu.memory_space<hbm>>
    %dma_start3A_207 = arith.constant 0 : i32
    %dma_start3A_208 = arith.constant 0 : i32
    %dma_start3A_209 = arith.constant 0 : i32
    %dma_start3A_210 = tpu.memref_slice %arg5[%dma_start3A_199, %dma_start3A_207, %dma_start3A_208, %dma_start3A_209] : memref<4x56x64x384xf32, #tpu.memory_space<vmem>> -> memref<1x56x64x384xf32, #tpu.memory_space<vmem>>
    %dma_start3A_211 = tpu.memref_squeeze %dma_start3A_210 : memref<1x56x64x384xf32, #tpu.memory_space<vmem>> -> memref<56x64x384xf32, #tpu.memory_space<vmem>>
    tpu.enqueue_dma source(%dma_start3A_211 : memref<56x64x384xf32, #tpu.memory_space<vmem>>) target(%dma_start3A_206 : memref<56x64x384xf32, #tpu.memory_space<hbm>>) target_semaphore(%dma_start3A_202 : memref<!tpu.dma_semaphore, #tpu.memory_space<semaphore_mem>>) {priority = 1 : i32}
    %dma_start3A_212 = arith.constant 2 : i32
    %dma_start3A_213 = arith.constant 2 : i32
    %dma_start3A_214 = tpu.memref_slice %arg6[%dma_start3A_213] : memref<4x!tpu.dma_semaphore, #tpu.memory_space<semaphore_mem>> -> memref<1x!tpu.dma_semaphore, #tpu.memory_space<semaphore_mem>>
    %dma_start3A_215 = tpu.memref_squeeze %dma_start3A_214 : memref<1x!tpu.dma_semaphore, #tpu.memory_space<semaphore_mem>> -> memref<!tpu.dma_semaphore, #tpu.memory_space<semaphore_mem>>
    %dma_start3A_216 = arith.constant 0 : i32
    %dma_start3A_217 = arith.constant 0 : i32
    %dma_start3A_218 = arith.constant 0 : i32
    %dma_start3A_219 = tpu.memref_slice %arg4[%dma_start3A_212, %dma_start3A_216, %dma_start3A_217, %dma_start3A_218] : memref<4x56x64x384xf32, #tpu.memory_space<vmem>> -> memref<1x56x64x384xf32, #tpu.memory_space<vmem>>
    %dma_start3A_220 = tpu.memref_squeeze %dma_start3A_219 : memref<1x56x64x384xf32, #tpu.memory_space<vmem>> -> memref<56x64x384xf32, #tpu.memory_space<vmem>>
    %dma_start3A_221 = arith.constant 336 : i32
    %dma_start3A_222 = arith.constant 0 : i32
    %dma_start3A_223 = arith.constant 0 : i32
    %dma_start3A_224 = tpu.memref_slice %arg0[%dma_start3A_221, %dma_start3A_222, %dma_start3A_223] : memref<784x64x384xf32, #tpu.memory_space<hbm>> -> memref<56x64x384xf32, #tpu.memory_space<hbm>>
    tpu.enqueue_dma source(%dma_start3A_224 : memref<56x64x384xf32, #tpu.memory_space<hbm>>) target(%dma_start3A_220 : memref<56x64x384xf32, #tpu.memory_space<vmem>>) target_semaphore(%dma_start3A_215 : memref<!tpu.dma_semaphore, #tpu.memory_space<semaphore_mem>>)
    %dma_wait3A_225 = arith.constant 3 : i32
    %dma_wait3A_226 = arith.constant 3 : i32
    %dma_wait3A_227 = tpu.memref_slice %arg6[%dma_wait3A_226] : memref<4x!tpu.dma_semaphore, #tpu.memory_space<semaphore_mem>> -> memref<1x!tpu.dma_semaphore, #tpu.memory_space<semaphore_mem>>
    %dma_wait3A_228 = tpu.memref_squeeze %dma_wait3A_227 : memref<1x!tpu.dma_semaphore, #tpu.memory_space<semaphore_mem>> -> memref<!tpu.dma_semaphore, #tpu.memory_space<semaphore_mem>>
    %dma_wait3A_229 = arith.constant 0 : i32
    %dma_wait3A_230 = arith.constant 0 : i32
    %dma_wait3A_231 = arith.constant 0 : i32
    %dma_wait3A_232 = tpu.memref_slice %arg4[%dma_wait3A_225, %dma_wait3A_229, %dma_wait3A_230, %dma_wait3A_231] : memref<4x56x64x384xf32, #tpu.memory_space<vmem>> -> memref<1x56x64x384xf32, #tpu.memory_space<vmem>>
    %dma_wait3A_233 = tpu.memref_squeeze %dma_wait3A_232 : memref<1x56x64x384xf32, #tpu.memory_space<vmem>> -> memref<56x64x384xf32, #tpu.memory_space<vmem>>
    %dma_wait3A_234 = arith.constant 168 : i32
    %dma_wait3A_235 = arith.constant 0 : i32
    %dma_wait3A_236 = arith.constant 0 : i32
    %dma_wait3A_237 = tpu.memref_slice %arg0[%dma_wait3A_234, %dma_wait3A_235, %dma_wait3A_236] : memref<784x64x384xf32, #tpu.memory_space<hbm>> -> memref<56x64x384xf32, #tpu.memory_space<hbm>>
    tpu.wait_dma2 semaphore(%dma_wait3A_228 : memref<!tpu.dma_semaphore, #tpu.memory_space<semaphore_mem>>) src(%dma_wait3A_237 : memref<56x64x384xf32, #tpu.memory_space<hbm>>) dst(%dma_wait3A_233 : memref<56x64x384xf32, #tpu.memory_space<vmem>>)
    %get3A_238 = arith.constant 3 : index
    %get3A_239 = arith.constant 0 : index
    %get3A_240 = arith.constant 0 : index
    %get3A_241 = arith.constant 0 : index
    %get3A_242 = vector.load %arg4[%get3A_238, %get3A_239, %get3A_240, %get3A_241] : memref<4x56x64x384xf32, #tpu.memory_space<vmem>>, vector<1x56x64x384xf32>
    %get3A_243 = vector.shape_cast %get3A_242 : vector<1x56x64x384xf32> to vector<56x64x384xf32>
    %broadcast_in_dim3A_244 = vector.shape_cast %get3A_1 : vector<64x384xf32> to vector<1x64x384xf32>
    %mul3A_245 = vector.broadcast %broadcast_in_dim3A_244 : vector<1x64x384xf32> to vector<56x64x384xf32>
    %mul3A_246 = arith.mulf %get3A_243, %mul3A_245 : vector<56x64x384xf32>
    %broadcast_in_dim3A_247 = vector.shape_cast %get3A_4 : vector<64x384xf32> to vector<1x64x384xf32>
    %add3A_248 = vector.broadcast %broadcast_in_dim3A_247 : vector<1x64x384xf32> to vector<56x64x384xf32>
    %add3A_249 = arith.addf %mul3A_246, %add3A_248 : vector<56x64x384xf32>
    %swap3A_250 = arith.constant 3 : index
    %swap3A_251 = arith.constant 0 : index
    %swap3A_252 = arith.constant 0 : index
    %swap3A_253 = arith.constant 0 : index
    %swap3A_254 = vector.load %arg5[%swap3A_250, %swap3A_251, %swap3A_252, %swap3A_253] : memref<4x56x64x384xf32, #tpu.memory_space<vmem>>, vector<1x56x64x384xf32>
    %swap3A_255 = vector.shape_cast %swap3A_254 : vector<1x56x64x384xf32> to vector<56x64x384xf32>
    %swap3A_256 = vector.shape_cast %add3A_249 : vector<56x64x384xf32> to vector<1x56x64x384xf32>
    tpu.vector_store %arg5[%swap3A_250, %swap3A_251, %swap3A_252, %swap3A_253], %swap3A_256 {strides = array<i32>} : memref<4x56x64x384xf32, #tpu.memory_space<vmem>>, vector<1x56x64x384xf32>,
    %dma_start3A_257 = arith.constant 3 : i32
    %dma_start3A_258 = arith.constant 3 : i32
    %dma_start3A_259 = tpu.memref_slice %arg7[%dma_start3A_258] : memref<4x!tpu.dma_semaphore, #tpu.memory_space<semaphore_mem>> -> memref<1x!tpu.dma_semaphore, #tpu.memory_space<semaphore_mem>>
    %dma_start3A_260 = tpu.memref_squeeze %dma_start3A_259 : memref<1x!tpu.dma_semaphore, #tpu.memory_space<semaphore_mem>> -> memref<!tpu.dma_semaphore, #tpu.memory_space<semaphore_mem>>
    %dma_start3A_261 = arith.constant 168 : i32
    %dma_start3A_262 = arith.constant 0 : i32
    %dma_start3A_263 = arith.constant 0 : i32
    %dma_start3A_264 = tpu.memref_slice %arg3[%dma_start3A_261, %dma_start3A_262, %dma_start3A_263] : memref<784x64x384xf32, #tpu.memory_space<hbm>> -> memref<56x64x384xf32, #tpu.memory_space<hbm>>
    %dma_start3A_265 = arith.constant 0 : i32
    %dma_start3A_266 = arith.constant 0 : i32
    %dma_start3A_267 = arith.constant 0 : i32
    %dma_start3A_268 = tpu.memref_slice %arg5[%dma_start3A_257, %dma_start3A_265, %dma_start3A_266, %dma_start3A_267] : memref<4x56x64x384xf32, #tpu.memory_space<vmem>> -> memref<1x56x64x384xf32, #tpu.memory_space<vmem>>
    %dma_start3A_269 = tpu.memref_squeeze %dma_start3A_268 : memref<1x56x64x384xf32, #tpu.memory_space<vmem>> -> memref<56x64x384xf32, #tpu.memory_space<vmem>>
    tpu.enqueue_dma source(%dma_start3A_269 : memref<56x64x384xf32, #tpu.memory_space<vmem>>) target(%dma_start3A_264 : memref<56x64x384xf32, #tpu.memory_space<hbm>>) target_semaphore(%dma_start3A_260 : memref<!tpu.dma_semaphore, #tpu.memory_space<semaphore_mem>>) {priority = 1 : i32}
    %dma_start3A_270 = arith.constant 3 : i32
    %dma_start3A_271 = arith.constant 3 : i32
    %dma_start3A_272 = tpu.memref_slice %arg6[%dma_start3A_271] : memref<4x!tpu.dma_semaphore, #tpu.memory_space<semaphore_mem>> -> memref<1x!tpu.dma_semaphore, #tpu.memory_space<semaphore_mem>>
    %dma_start3A_273 = tpu.memref_squeeze %dma_start3A_272 : memref<1x!tpu.dma_semaphore, #tpu.memory_space<semaphore_mem>> -> memref<!tpu.dma_semaphore, #tpu.memory_space<semaphore_mem>>
    %dma_start3A_274 = arith.constant 0 : i32
    %dma_start3A_275 = arith.constant 0 : i32
    %dma_start3A_276 = arith.constant 0 : i32
    %dma_start3A_277 = tpu.memref_slice %arg4[%dma_start3A_270, %dma_start3A_274, %dma_start3A_275, %dma_start3A_276] : memref<4x56x64x384xf32, #tpu.memory_space<vmem>> -> memref<1x56x64x384xf32, #tpu.memory_space<vmem>>
    %dma_start3A_278 = tpu.memref_squeeze %dma_start3A_277 : memref<1x56x64x384xf32, #tpu.memory_space<vmem>> -> memref<56x64x384xf32, #tpu.memory_space<vmem>>
    %dma_start3A_279 = arith.constant 392 : i32
    %dma_start3A_280 = arith.constant 0 : i32
    %dma_start3A_281 = arith.constant 0 : i32
    %dma_start3A_282 = tpu.memref_slice %arg0[%dma_start3A_279, %dma_start3A_280, %dma_start3A_281] : memref<784x64x384xf32, #tpu.memory_space<hbm>> -> memref<56x64x384xf32, #tpu.memory_space<hbm>>
    tpu.enqueue_dma source(%dma_start3A_282 : memref<56x64x384xf32, #tpu.memory_space<hbm>>) target(%dma_start3A_278 : memref<56x64x384xf32, #tpu.memory_space<vmem>>) target_semaphore(%dma_start3A_273 : memref<!tpu.dma_semaphore, #tpu.memory_space<semaphore_mem>>)
    %dma_wait3A_283 = arith.constant 0 : i32
    %dma_wait3A_284 = arith.constant 0 : i32
    %dma_wait3A_285 = tpu.memref_slice %arg6[%dma_wait3A_284] : memref<4x!tpu.dma_semaphore, #tpu.memory_space<semaphore_mem>> -> memref<1x!tpu.dma_semaphore, #tpu.memory_space<semaphore_mem>>
    %dma_wait3A_286 = tpu.memref_squeeze %dma_wait3A_285 : memref<1x!tpu.dma_semaphore, #tpu.memory_space<semaphore_mem>> -> memref<!tpu.dma_semaphore, #tpu.memory_space<semaphore_mem>>
    %dma_wait3A_287 = arith.constant 0 : i32
    %dma_wait3A_288 = arith.constant 0 : i32
    %dma_wait3A_289 = arith.constant 0 : i32
    %dma_wait3A_290 = tpu.memref_slice %arg4[%dma_wait3A_283, %dma_wait3A_287, %dma_wait3A_288, %dma_wait3A_289] : memref<4x56x64x384xf32, #tpu.memory_space<vmem>> -> memref<1x56x64x384xf32, #tpu.memory_space<vmem>>
    %dma_wait3A_291 = tpu.memref_squeeze %dma_wait3A_290 : memref<1x56x64x384xf32, #tpu.memory_space<vmem>> -> memref<56x64x384xf32, #tpu.memory_space<vmem>>
    %dma_wait3A_292 = arith.constant 224 : i32
    %dma_wait3A_293 = arith.constant 0 : i32
    %dma_wait3A_294 = arith.constant 0 : i32
    %dma_wait3A_295 = tpu.memref_slice %arg0[%dma_wait3A_292, %dma_wait3A_293, %dma_wait3A_294] : memref<784x64x384xf32, #tpu.memory_space<hbm>> -> memref<56x64x384xf32, #tpu.memory_space<hbm>>
    tpu.wait_dma2 semaphore(%dma_wait3A_286 : memref<!tpu.dma_semaphore, #tpu.memory_space<semaphore_mem>>) src(%dma_wait3A_295 : memref<56x64x384xf32, #tpu.memory_space<hbm>>) dst(%dma_wait3A_291 : memref<56x64x384xf32, #tpu.memory_space<vmem>>)
    %dma_wait3A_296 = arith.constant 0 : i32
    %dma_wait3A_297 = arith.constant 0 : i32
    %dma_wait3A_298 = tpu.memref_slice %arg7[%dma_wait3A_297] : memref<4x!tpu.dma_semaphore, #tpu.memory_space<semaphore_mem>> -> memref<1x!tpu.dma_semaphore, #tpu.memory_space<semaphore_mem>>
    %dma_wait3A_299 = tpu.memref_squeeze %dma_wait3A_298 : memref<1x!tpu.dma_semaphore, #tpu.memory_space<semaphore_mem>> -> memref<!tpu.dma_semaphore, #tpu.memory_space<semaphore_mem>>
    %dma_wait3A_300 = arith.constant 0 : i32
    %dma_wait3A_301 = arith.constant 0 : i32
    %dma_wait3A_302 = arith.constant 0 : i32
    %dma_wait3A_303 = tpu.memref_slice %arg3[%dma_wait3A_300, %dma_wait3A_301, %dma_wait3A_302] : memref<784x64x384xf32, #tpu.memory_space<hbm>> -> memref<56x64x384xf32, #tpu.memory_space<hbm>>
    %dma_wait3A_304 = arith.constant 0 : i32
    %dma_wait3A_305 = arith.constant 0 : i32
    %dma_wait3A_306 = arith.constant 0 : i32
    %dma_wait3A_307 = tpu.memref_slice %arg5[%dma_wait3A_296, %dma_wait3A_304, %dma_wait3A_305, %dma_wait3A_306] : memref<4x56x64x384xf32, #tpu.memory_space<vmem>> -> memref<1x56x64x384xf32, #tpu.memory_space<vmem>>
    %dma_wait3A_308 = tpu.memref_squeeze %dma_wait3A_307 : memref<1x56x64x384xf32, #tpu.memory_space<vmem>> -> memref<56x64x384xf32, #tpu.memory_space<vmem>>
    tpu.wait_dma2 semaphore(%dma_wait3A_299 : memref<!tpu.dma_semaphore, #tpu.memory_space<semaphore_mem>>) src(%dma_wait3A_308 : memref<56x64x384xf32, #tpu.memory_space<vmem>>) dst(%dma_wait3A_303 : memref<56x64x384xf32, #tpu.memory_space<hbm>>)
    %get3A_309 = arith.constant 0 : index
    %get3A_310 = arith.constant 0 : index
    %get3A_311 = arith.constant 0 : index
    %get3A_312 = arith.constant 0 : index
    %get3A_313 = vector.load %arg4[%get3A_309, %get3A_310, %get3A_311, %get3A_312] : memref<4x56x64x384xf32, #tpu.memory_space<vmem>>, vector<1x56x64x384xf32>
    %get3A_314 = vector.shape_cast %get3A_313 : vector<1x56x64x384xf32> to vector<56x64x384xf32>
    %broadcast_in_dim3A_315 = vector.shape_cast %get3A_1 : vector<64x384xf32> to vector<1x64x384xf32>
    %mul3A_316 = vector.broadcast %broadcast_in_dim3A_315 : vector<1x64x384xf32> to vector<56x64x384xf32>
    %mul3A_317 = arith.mulf %get3A_314, %mul3A_316 : vector<56x64x384xf32>
    %broadcast_in_dim3A_318 = vector.shape_cast %get3A_4 : vector<64x384xf32> to vector<1x64x384xf32>
    %add3A_319 = vector.broadcast %broadcast_in_dim3A_318 : vector<1x64x384xf32> to vector<56x64x384xf32>
    %add3A_320 = arith.addf %mul3A_317, %add3A_319 : vector<56x64x384xf32>
    %swap3A_321 = arith.constant 0 : index
    %swap3A_322 = arith.constant 0 : index
    %swap3A_323 = arith.constant 0 : index
    %swap3A_324 = arith.constant 0 : index
    %swap3A_325 = vector.load %arg5[%swap3A_321, %swap3A_322, %swap3A_323, %swap3A_324] : memref<4x56x64x384xf32, #tpu.memory_space<vmem>>, vector<1x56x64x384xf32>
    %swap3A_326 = vector.shape_cast %swap3A_325 : vector<1x56x64x384xf32> to vector<56x64x384xf32>
    %swap3A_327 = vector.shape_cast %add3A_320 : vector<56x64x384xf32> to vector<1x56x64x384xf32>
    tpu.vector_store %arg5[%swap3A_321, %swap3A_322, %swap3A_323, %swap3A_324], %swap3A_327 {strides = array<i32>} : memref<4x56x64x384xf32, #tpu.memory_space<vmem>>, vector<1x56x64x384xf32>,
    %dma_start3A_328 = arith.constant 0 : i32
    %dma_start3A_329 = arith.constant 0 : i32
    %dma_start3A_330 = tpu.memref_slice %arg7[%dma_start3A_329] : memref<4x!tpu.dma_semaphore, #tpu.memory_space<semaphore_mem>> -> memref<1x!tpu.dma_semaphore, #tpu.memory_space<semaphore_mem>>
    %dma_start3A_331 = tpu.memref_squeeze %dma_start3A_330 : memref<1x!tpu.dma_semaphore, #tpu.memory_space<semaphore_mem>> -> memref<!tpu.dma_semaphore, #tpu.memory_space<semaphore_mem>>
    %dma_start3A_332 = arith.constant 224 : i32
    %dma_start3A_333 = arith.constant 0 : i32
    %dma_start3A_334 = arith.constant 0 : i32
    %dma_start3A_335 = tpu.memref_slice %arg3[%dma_start3A_332, %dma_start3A_333, %dma_start3A_334] : memref<784x64x384xf32, #tpu.memory_space<hbm>> -> memref<56x64x384xf32, #tpu.memory_space<hbm>>
    %dma_start3A_336 = arith.constant 0 : i32
    %dma_start3A_337 = arith.constant 0 : i32
    %dma_start3A_338 = arith.constant 0 : i32
    %dma_start3A_339 = tpu.memref_slice %arg5[%dma_start3A_328, %dma_start3A_336, %dma_start3A_337, %dma_start3A_338] : memref<4x56x64x384xf32, #tpu.memory_space<vmem>> -> memref<1x56x64x384xf32, #tpu.memory_space<vmem>>
    %dma_start3A_340 = tpu.memref_squeeze %dma_start3A_339 : memref<1x56x64x384xf32, #tpu.memory_space<vmem>> -> memref<56x64x384xf32, #tpu.memory_space<vmem>>
    tpu.enqueue_dma source(%dma_start3A_340 : memref<56x64x384xf32, #tpu.memory_space<vmem>>) target(%dma_start3A_335 : memref<56x64x384xf32, #tpu.memory_space<hbm>>) target_semaphore(%dma_start3A_331 : memref<!tpu.dma_semaphore, #tpu.memory_space<semaphore_mem>>) {priority = 1 : i32}
    %dma_start3A_341 = arith.constant 0 : i32
    %dma_start3A_342 = arith.constant 0 : i32
    %dma_start3A_343 = tpu.memref_slice %arg6[%dma_start3A_342] : memref<4x!tpu.dma_semaphore, #tpu.memory_space<semaphore_mem>> -> memref<1x!tpu.dma_semaphore, #tpu.memory_space<semaphore_mem>>
    %dma_start3A_344 = tpu.memref_squeeze %dma_start3A_343 : memref<1x!tpu.dma_semaphore, #tpu.memory_space<semaphore_mem>> -> memref<!tpu.dma_semaphore, #tpu.memory_space<semaphore_mem>>
    %dma_start3A_345 = arith.constant 0 : i32
    %dma_start3A_346 = arith.constant 0 : i32
    %dma_start3A_347 = arith.constant 0 : i32
    %dma_start3A_348 = tpu.memref_slice %arg4[%dma_start3A_341, %dma_start3A_345, %dma_start3A_346, %dma_start3A_347] : memref<4x56x64x384xf32, #tpu.memory_space<vmem>> -> memref<1x56x64x384xf32, #tpu.memory_space<vmem>>
    %dma_start3A_349 = tpu.memref_squeeze %dma_start3A_348 : memref<1x56x64x384xf32, #tpu.memory_space<vmem>> -> memref<56x64x384xf32, #tpu.memory_space<vmem>>
    %dma_start3A_350 = arith.constant 448 : i32
    %dma_start3A_351 = arith.constant 0 : i32
    %dma_start3A_352 = arith.constant 0 : i32
    %dma_start3A_353 = tpu.memref_slice %arg0[%dma_start3A_350, %dma_start3A_351, %dma_start3A_352] : memref<784x64x384xf32, #tpu.memory_space<hbm>> -> memref<56x64x384xf32, #tpu.memory_space<hbm>>
    tpu.enqueue_dma source(%dma_start3A_353 : memref<56x64x384xf32, #tpu.memory_space<hbm>>) target(%dma_start3A_349 : memref<56x64x384xf32, #tpu.memory_space<vmem>>) target_semaphore(%dma_start3A_344 : memref<!tpu.dma_semaphore, #tpu.memory_space<semaphore_mem>>)
    %dma_wait3A_354 = arith.constant 1 : i32
    %dma_wait3A_355 = arith.constant 1 : i32
    %dma_wait3A_356 = tpu.memref_slice %arg6[%dma_wait3A_355] : memref<4x!tpu.dma_semaphore, #tpu.memory_space<semaphore_mem>> -> memref<1x!tpu.dma_semaphore, #tpu.memory_space<semaphore_mem>>
    %dma_wait3A_357 = tpu.memref_squeeze %dma_wait3A_356 : memref<1x!tpu.dma_semaphore, #tpu.memory_space<semaphore_mem>> -> memref<!tpu.dma_semaphore, #tpu.memory_space<semaphore_mem>>
    %dma_wait3A_358 = arith.constant 0 : i32
    %dma_wait3A_359 = arith.constant 0 : i32
    %dma_wait3A_360 = arith.constant 0 : i32
    %dma_wait3A_361 = tpu.memref_slice %arg4[%dma_wait3A_354, %dma_wait3A_358, %dma_wait3A_359, %dma_wait3A_360] : memref<4x56x64x384xf32, #tpu.memory_space<vmem>> -> memref<1x56x64x384xf32, #tpu.memory_space<vmem>>
    %dma_wait3A_362 = tpu.memref_squeeze %dma_wait3A_361 : memref<1x56x64x384xf32, #tpu.memory_space<vmem>> -> memref<56x64x384xf32, #tpu.memory_space<vmem>>
    %dma_wait3A_363 = arith.constant 280 : i32
    %dma_wait3A_364 = arith.constant 0 : i32
    %dma_wait3A_365 = arith.constant 0 : i32
    %dma_wait3A_366 = tpu.memref_slice %arg0[%dma_wait3A_363, %dma_wait3A_364, %dma_wait3A_365] : memref<784x64x384xf32, #tpu.memory_space<hbm>> -> memref<56x64x384xf32, #tpu.memory_space<hbm>>
    tpu.wait_dma2 semaphore(%dma_wait3A_357 : memref<!tpu.dma_semaphore, #tpu.memory_space<semaphore_mem>>) src(%dma_wait3A_366 : memref<56x64x384xf32, #tpu.memory_space<hbm>>) dst(%dma_wait3A_362 : memref<56x64x384xf32, #tpu.memory_space<vmem>>)
    %dma_wait3A_367 = arith.constant 1 : i32
    %dma_wait3A_368 = arith.constant 1 : i32
    %dma_wait3A_369 = tpu.memref_slice %arg7[%dma_wait3A_368] : memref<4x!tpu.dma_semaphore, #tpu.memory_space<semaphore_mem>> -> memref<1x!tpu.dma_semaphore, #tpu.memory_space<semaphore_mem>>
    %dma_wait3A_370 = tpu.memref_squeeze %dma_wait3A_369 : memref<1x!tpu.dma_semaphore, #tpu.memory_space<semaphore_mem>> -> memref<!tpu.dma_semaphore, #tpu.memory_space<semaphore_mem>>
    %dma_wait3A_371 = arith.constant 0 : i32
    %dma_wait3A_372 = arith.constant 0 : i32
    %dma_wait3A_373 = arith.constant 0 : i32
    %dma_wait3A_374 = tpu.memref_slice %arg3[%dma_wait3A_371, %dma_wait3A_372, %dma_wait3A_373] : memref<784x64x384xf32, #tpu.memory_space<hbm>> -> memref<56x64x384xf32, #tpu.memory_space<hbm>>
    %dma_wait3A_375 = arith.constant 0 : i32
    %dma_wait3A_376 = arith.constant 0 : i32
    %dma_wait3A_377 = arith.constant 0 : i32
    %dma_wait3A_378 = tpu.memref_slice %arg5[%dma_wait3A_367, %dma_wait3A_375, %dma_wait3A_376, %dma_wait3A_377] : memref<4x56x64x384xf32, #tpu.memory_space<vmem>> -> memref<1x56x64x384xf32, #tpu.memory_space<vmem>>
    %dma_wait3A_379 = tpu.memref_squeeze %dma_wait3A_378 : memref<1x56x64x384xf32, #tpu.memory_space<vmem>> -> memref<56x64x384xf32, #tpu.memory_space<vmem>>
    tpu.wait_dma2 semaphore(%dma_wait3A_370 : memref<!tpu.dma_semaphore, #tpu.memory_space<semaphore_mem>>) src(%dma_wait3A_379 : memref<56x64x384xf32, #tpu.memory_space<vmem>>) dst(%dma_wait3A_374 : memref<56x64x384xf32, #tpu.memory_space<hbm>>)
    %get3A_380 = arith.constant 1 : index
    %get3A_381 = arith.constant 0 : index
    %get3A_382 = arith.constant 0 : index
    %get3A_383 = arith.constant 0 : index
    %get3A_384 = vector.load %arg4[%get3A_380, %get3A_381, %get3A_382, %get3A_383] : memref<4x56x64x384xf32, #tpu.memory_space<vmem>>, vector<1x56x64x384xf32>
    %get3A_385 = vector.shape_cast %get3A_384 : vector<1x56x64x384xf32> to vector<56x64x384xf32>
    %broadcast_in_dim3A_386 = vector.shape_cast %get3A_1 : vector<64x384xf32> to vector<1x64x384xf32>
    %mul3A_387 = vector.broadcast %broadcast_in_dim3A_386 : vector<1x64x384xf32> to vector<56x64x384xf32>
    %mul3A_388 = arith.mulf %get3A_385, %mul3A_387 : vector<56x64x384xf32>
    %broadcast_in_dim3A_389 = vector.shape_cast %get3A_4 : vector<64x384xf32> to vector<1x64x384xf32>
    %add3A_390 = vector.broadcast %broadcast_in_dim3A_389 : vector<1x64x384xf32> to vector<56x64x384xf32>
    %add3A_391 = arith.addf %mul3A_388, %add3A_390 : vector<56x64x384xf32>
    %swap3A_392 = arith.constant 1 : index
    %swap3A_393 = arith.constant 0 : index
    %swap3A_394 = arith.constant 0 : index
    %swap3A_395 = arith.constant 0 : index
    %swap3A_396 = vector.load %arg5[%swap3A_392, %swap3A_393, %swap3A_394, %swap3A_395] : memref<4x56x64x384xf32, #tpu.memory_space<vmem>>, vector<1x56x64x384xf32>
    %swap3A_397 = vector.shape_cast %swap3A_396 : vector<1x56x64x384xf32> to vector<56x64x384xf32>
    %swap3A_398 = vector.shape_cast %add3A_391 : vector<56x64x384xf32> to vector<1x56x64x384xf32>
    tpu.vector_store %arg5[%swap3A_392, %swap3A_393, %swap3A_394, %swap3A_395], %swap3A_398 {strides = array<i32>} : memref<4x56x64x384xf32, #tpu.memory_space<vmem>>, vector<1x56x64x384xf32>,
    %dma_start3A_399 = arith.constant 1 : i32
    %dma_start3A_400 = arith.constant 1 : i32
    %dma_start3A_401 = tpu.memref_slice %arg7[%dma_start3A_400] : memref<4x!tpu.dma_semaphore, #tpu.memory_space<semaphore_mem>> -> memref<1x!tpu.dma_semaphore, #tpu.memory_space<semaphore_mem>>
    %dma_start3A_402 = tpu.memref_squeeze %dma_start3A_401 : memref<1x!tpu.dma_semaphore, #tpu.memory_space<semaphore_mem>> -> memref<!tpu.dma_semaphore, #tpu.memory_space<semaphore_mem>>
    %dma_start3A_403 = arith.constant 280 : i32
    %dma_start3A_404 = arith.constant 0 : i32
    %dma_start3A_405 = arith.constant 0 : i32
    %dma_start3A_406 = tpu.memref_slice %arg3[%dma_start3A_403, %dma_start3A_404, %dma_start3A_405] : memref<784x64x384xf32, #tpu.memory_space<hbm>> -> memref<56x64x384xf32, #tpu.memory_space<hbm>>
    %dma_start3A_407 = arith.constant 0 : i32
    %dma_start3A_408 = arith.constant 0 : i32
    %dma_start3A_409 = arith.constant 0 : i32
    %dma_start3A_410 = tpu.memref_slice %arg5[%dma_start3A_399, %dma_start3A_407, %dma_start3A_408, %dma_start3A_409] : memref<4x56x64x384xf32, #tpu.memory_space<vmem>> -> memref<1x56x64x384xf32, #tpu.memory_space<vmem>>
    %dma_start3A_411 = tpu.memref_squeeze %dma_start3A_410 : memref<1x56x64x384xf32, #tpu.memory_space<vmem>> -> memref<56x64x384xf32, #tpu.memory_space<vmem>>
    tpu.enqueue_dma source(%dma_start3A_411 : memref<56x64x384xf32, #tpu.memory_space<vmem>>) target(%dma_start3A_406 : memref<56x64x384xf32, #tpu.memory_space<hbm>>) target_semaphore(%dma_start3A_402 : memref<!tpu.dma_semaphore, #tpu.memory_space<semaphore_mem>>) {priority = 1 : i32}
    %dma_start3A_412 = arith.constant 1 : i32
    %dma_start3A_413 = arith.constant 1 : i32
    %dma_start3A_414 = tpu.memref_slice %arg6[%dma_start3A_413] : memref<4x!tpu.dma_semaphore, #tpu.memory_space<semaphore_mem>> -> memref<1x!tpu.dma_semaphore, #tpu.memory_space<semaphore_mem>>
    %dma_start3A_415 = tpu.memref_squeeze %dma_start3A_414 : memref<1x!tpu.dma_semaphore, #tpu.memory_space<semaphore_mem>> -> memref<!tpu.dma_semaphore, #tpu.memory_space<semaphore_mem>>
    %dma_start3A_416 = arith.constant 0 : i32
    %dma_start3A_417 = arith.constant 0 : i32
    %dma_start3A_418 = arith.constant 0 : i32
    %dma_start3A_419 = tpu.memref_slice %arg4[%dma_start3A_412, %dma_start3A_416, %dma_start3A_417, %dma_start3A_418] : memref<4x56x64x384xf32, #tpu.memory_space<vmem>> -> memref<1x56x64x384xf32, #tpu.memory_space<vmem>>
    %dma_start3A_420 = tpu.memref_squeeze %dma_start3A_419 : memref<1x56x64x384xf32, #tpu.memory_space<vmem>> -> memref<56x64x384xf32, #tpu.memory_space<vmem>>
    %dma_start3A_421 = arith.constant 504 : i32
    %dma_start3A_422 = arith.constant 0 : i32
    %dma_start3A_423 = arith.constant 0 : i32
    %dma_start3A_424 = tpu.memref_slice %arg0[%dma_start3A_421, %dma_start3A_422, %dma_start3A_423] : memref<784x64x384xf32, #tpu.memory_space<hbm>> -> memref<56x64x384xf32, #tpu.memory_space<hbm>>
    tpu.enqueue_dma source(%dma_start3A_424 : memref<56x64x384xf32, #tpu.memory_space<hbm>>) target(%dma_start3A_420 : memref<56x64x384xf32, #tpu.memory_space<vmem>>) target_semaphore(%dma_start3A_415 : memref<!tpu.dma_semaphore, #tpu.memory_space<semaphore_mem>>)
    %dma_wait3A_425 = arith.constant 2 : i32
    %dma_wait3A_426 = arith.constant 2 : i32
    %dma_wait3A_427 = tpu.memref_slice %arg6[%dma_wait3A_426] : memref<4x!tpu.dma_semaphore, #tpu.memory_space<semaphore_mem>> -> memref<1x!tpu.dma_semaphore, #tpu.memory_space<semaphore_mem>>
    %dma_wait3A_428 = tpu.memref_squeeze %dma_wait3A_427 : memref<1x!tpu.dma_semaphore, #tpu.memory_space<semaphore_mem>> -> memref<!tpu.dma_semaphore, #tpu.memory_space<semaphore_mem>>
    %dma_wait3A_429 = arith.constant 0 : i32
    %dma_wait3A_430 = arith.constant 0 : i32
    %dma_wait3A_431 = arith.constant 0 : i32
    %dma_wait3A_432 = tpu.memref_slice %arg4[%dma_wait3A_425, %dma_wait3A_429, %dma_wait3A_430, %dma_wait3A_431] : memref<4x56x64x384xf32, #tpu.memory_space<vmem>> -> memref<1x56x64x384xf32, #tpu.memory_space<vmem>>
    %dma_wait3A_433 = tpu.memref_squeeze %dma_wait3A_432 : memref<1x56x64x384xf32, #tpu.memory_space<vmem>> -> memref<56x64x384xf32, #tpu.memory_space<vmem>>
    %dma_wait3A_434 = arith.constant 336 : i32
    %dma_wait3A_435 = arith.constant 0 : i32
    %dma_wait3A_436 = arith.constant 0 : i32
    %dma_wait3A_437 = tpu.memref_slice %arg0[%dma_wait3A_434, %dma_wait3A_435, %dma_wait3A_436] : memref<784x64x384xf32, #tpu.memory_space<hbm>> -> memref<56x64x384xf32, #tpu.memory_space<hbm>>
    tpu.wait_dma2 semaphore(%dma_wait3A_428 : memref<!tpu.dma_semaphore, #tpu.memory_space<semaphore_mem>>) src(%dma_wait3A_437 : memref<56x64x384xf32, #tpu.memory_space<hbm>>) dst(%dma_wait3A_433 : memref<56x64x384xf32, #tpu.memory_space<vmem>>)
    %dma_wait3A_438 = arith.constant 2 : i32
    %dma_wait3A_439 = arith.constant 2 : i32
    %dma_wait3A_440 = tpu.memref_slice %arg7[%dma_wait3A_439] : memref<4x!tpu.dma_semaphore, #tpu.memory_space<semaphore_mem>> -> memref<1x!tpu.dma_semaphore, #tpu.memory_space<semaphore_mem>>
    %dma_wait3A_441 = tpu.memref_squeeze %dma_wait3A_440 : memref<1x!tpu.dma_semaphore, #tpu.memory_space<semaphore_mem>> -> memref<!tpu.dma_semaphore, #tpu.memory_space<semaphore_mem>>
    %dma_wait3A_442 = arith.constant 0 : i32
    %dma_wait3A_443 = arith.constant 0 : i32
    %dma_wait3A_444 = arith.constant 0 : i32
    %dma_wait3A_445 = tpu.memref_slice %arg3[%dma_wait3A_442, %dma_wait3A_443, %dma_wait3A_444] : memref<784x64x384xf32, #tpu.memory_space<hbm>> -> memref<56x64x384xf32, #tpu.memory_space<hbm>>
    %dma_wait3A_446 = arith.constant 0 : i32
    %dma_wait3A_447 = arith.constant 0 : i32
    %dma_wait3A_448 = arith.constant 0 : i32
    %dma_wait3A_449 = tpu.memref_slice %arg5[%dma_wait3A_438, %dma_wait3A_446, %dma_wait3A_447, %dma_wait3A_448] : memref<4x56x64x384xf32, #tpu.memory_space<vmem>> -> memref<1x56x64x384xf32, #tpu.memory_space<vmem>>
    %dma_wait3A_450 = tpu.memref_squeeze %dma_wait3A_449 : memref<1x56x64x384xf32, #tpu.memory_space<vmem>> -> memref<56x64x384xf32, #tpu.memory_space<vmem>>
    tpu.wait_dma2 semaphore(%dma_wait3A_441 : memref<!tpu.dma_semaphore, #tpu.memory_space<semaphore_mem>>) src(%dma_wait3A_450 : memref<56x64x384xf32, #tpu.memory_space<vmem>>) dst(%dma_wait3A_445 : memref<56x64x384xf32, #tpu.memory_space<hbm>>)
    %get3A_451 = arith.constant 2 : index
    %get3A_452 = arith.constant 0 : index
    %get3A_453 = arith.constant 0 : index
    %get3A_454 = arith.constant 0 : index
    %get3A_455 = vector.load %arg4[%get3A_451, %get3A_452, %get3A_453, %get3A_454] : memref<4x56x64x384xf32, #tpu.memory_space<vmem>>, vector<1x56x64x384xf32>
    %get3A_456 = vector.shape_cast %get3A_455 : vector<1x56x64x384xf32> to vector<56x64x384xf32>
    %broadcast_in_dim3A_457 = vector.shape_cast %get3A_1 : vector<64x384xf32> to vector<1x64x384xf32>
    %mul3A_458 = vector.broadcast %broadcast_in_dim3A_457 : vector<1x64x384xf32> to vector<56x64x384xf32>
    %mul3A_459 = arith.mulf %get3A_456, %mul3A_458 : vector<56x64x384xf32>
    %broadcast_in_dim3A_460 = vector.shape_cast %get3A_4 : vector<64x384xf32> to vector<1x64x384xf32>
    %add3A_461 = vector.broadcast %broadcast_in_dim3A_460 : vector<1x64x384xf32> to vector<56x64x384xf32>
    %add3A_462 = arith.addf %mul3A_459, %add3A_461 : vector<56x64x384xf32>
    %swap3A_463 = arith.constant 2 : index
    %swap3A_464 = arith.constant 0 : index
    %swap3A_465 = arith.constant 0 : index
    %swap3A_466 = arith.constant 0 : index
    %swap3A_467 = vector.load %arg5[%swap3A_463, %swap3A_464, %swap3A_465, %swap3A_466] : memref<4x56x64x384xf32, #tpu.memory_space<vmem>>, vector<1x56x64x384xf32>
    %swap3A_468 = vector.shape_cast %swap3A_467 : vector<1x56x64x384xf32> to vector<56x64x384xf32>
    %swap3A_469 = vector.shape_cast %add3A_462 : vector<56x64x384xf32> to vector<1x56x64x384xf32>
    tpu.vector_store %arg5[%swap3A_463, %swap3A_464, %swap3A_465, %swap3A_466], %swap3A_469 {strides = array<i32>} : memref<4x56x64x384xf32, #tpu.memory_space<vmem>>, vector<1x56x64x384xf32>,
    %dma_start3A_470 = arith.constant 2 : i32
    %dma_start3A_471 = arith.constant 2 : i32
    %dma_start3A_472 = tpu.memref_slice %arg7[%dma_start3A_471] : memref<4x!tpu.dma_semaphore, #tpu.memory_space<semaphore_mem>> -> memref<1x!tpu.dma_semaphore, #tpu.memory_space<semaphore_mem>>
    %dma_start3A_473 = tpu.memref_squeeze %dma_start3A_472 : memref<1x!tpu.dma_semaphore, #tpu.memory_space<semaphore_mem>> -> memref<!tpu.dma_semaphore, #tpu.memory_space<semaphore_mem>>
    %dma_start3A_474 = arith.constant 336 : i32
    %dma_start3A_475 = arith.constant 0 : i32
    %dma_start3A_476 = arith.constant 0 : i32
    %dma_start3A_477 = tpu.memref_slice %arg3[%dma_start3A_474, %dma_start3A_475, %dma_start3A_476] : memref<784x64x384xf32, #tpu.memory_space<hbm>> -> memref<56x64x384xf32, #tpu.memory_space<hbm>>
    %dma_start3A_478 = arith.constant 0 : i32
    %dma_start3A_479 = arith.constant 0 : i32
    %dma_start3A_480 = arith.constant 0 : i32
    %dma_start3A_481 = tpu.memref_slice %arg5[%dma_start3A_470, %dma_start3A_478, %dma_start3A_479, %dma_start3A_480] : memref<4x56x64x384xf32, #tpu.memory_space<vmem>> -> memref<1x56x64x384xf32, #tpu.memory_space<vmem>>
    %dma_start3A_482 = tpu.memref_squeeze %dma_start3A_481 : memref<1x56x64x384xf32, #tpu.memory_space<vmem>> -> memref<56x64x384xf32, #tpu.memory_space<vmem>>
    tpu.enqueue_dma source(%dma_start3A_482 : memref<56x64x384xf32, #tpu.memory_space<vmem>>) target(%dma_start3A_477 : memref<56x64x384xf32, #tpu.memory_space<hbm>>) target_semaphore(%dma_start3A_473 : memref<!tpu.dma_semaphore, #tpu.memory_space<semaphore_mem>>) {priority = 1 : i32}
    %dma_start3A_483 = arith.constant 2 : i32
    %dma_start3A_484 = arith.constant 2 : i32
    %dma_start3A_485 = tpu.memref_slice %arg6[%dma_start3A_484] : memref<4x!tpu.dma_semaphore, #tpu.memory_space<semaphore_mem>> -> memref<1x!tpu.dma_semaphore, #tpu.memory_space<semaphore_mem>>
    %dma_start3A_486 = tpu.memref_squeeze %dma_start3A_485 : memref<1x!tpu.dma_semaphore, #tpu.memory_space<semaphore_mem>> -> memref<!tpu.dma_semaphore, #tpu.memory_space<semaphore_mem>>
    %dma_start3A_487 = arith.constant 0 : i32
    %dma_start3A_488 = arith.constant 0 : i32
    %dma_start3A_489 = arith.constant 0 : i32
    %dma_start3A_490 = tpu.memref_slice %arg4[%dma_start3A_483, %dma_start3A_487, %dma_start3A_488, %dma_start3A_489] : memref<4x56x64x384xf32, #tpu.memory_space<vmem>> -> memref<1x56x64x384xf32, #tpu.memory_space<vmem>>
    %dma_start3A_491 = tpu.memref_squeeze %dma_start3A_490 : memref<1x56x64x384xf32, #tpu.memory_space<vmem>> -> memref<56x64x384xf32, #tpu.memory_space<vmem>>
    %dma_start3A_492 = arith.constant 560 : i32
    %dma_start3A_493 = arith.constant 0 : i32
    %dma_start3A_494 = arith.constant 0 : i32
    %dma_start3A_495 = tpu.memref_slice %arg0[%dma_start3A_492, %dma_start3A_493, %dma_start3A_494] : memref<784x64x384xf32, #tpu.memory_space<hbm>> -> memref<56x64x384xf32, #tpu.memory_space<hbm>>
    tpu.enqueue_dma source(%dma_start3A_495 : memref<56x64x384xf32, #tpu.memory_space<hbm>>) target(%dma_start3A_491 : memref<56x64x384xf32, #tpu.memory_space<vmem>>) target_semaphore(%dma_start3A_486 : memref<!tpu.dma_semaphore, #tpu.memory_space<semaphore_mem>>)
    %dma_wait3A_496 = arith.constant 3 : i32
    %dma_wait3A_497 = arith.constant 3 : i32
    %dma_wait3A_498 = tpu.memref_slice %arg6[%dma_wait3A_497] : memref<4x!tpu.dma_semaphore, #tpu.memory_space<semaphore_mem>> -> memref<1x!tpu.dma_semaphore, #tpu.memory_space<semaphore_mem>>
    %dma_wait3A_499 = tpu.memref_squeeze %dma_wait3A_498 : memref<1x!tpu.dma_semaphore, #tpu.memory_space<semaphore_mem>> -> memref<!tpu.dma_semaphore, #tpu.memory_space<semaphore_mem>>
    %dma_wait3A_500 = arith.constant 0 : i32
    %dma_wait3A_501 = arith.constant 0 : i32
    %dma_wait3A_502 = arith.constant 0 : i32
    %dma_wait3A_503 = tpu.memref_slice %arg4[%dma_wait3A_496, %dma_wait3A_500, %dma_wait3A_501, %dma_wait3A_502] : memref<4x56x64x384xf32, #tpu.memory_space<vmem>> -> memref<1x56x64x384xf32, #tpu.memory_space<vmem>>
    %dma_wait3A_504 = tpu.memref_squeeze %dma_wait3A_503 : memref<1x56x64x384xf32, #tpu.memory_space<vmem>> -> memref<56x64x384xf32, #tpu.memory_space<vmem>>
    %dma_wait3A_505 = arith.constant 392 : i32
    %dma_wait3A_506 = arith.constant 0 : i32
    %dma_wait3A_507 = arith.constant 0 : i32
    %dma_wait3A_508 = tpu.memref_slice %arg0[%dma_wait3A_505, %dma_wait3A_506, %dma_wait3A_507] : memref<784x64x384xf32, #tpu.memory_space<hbm>> -> memref<56x64x384xf32, #tpu.memory_space<hbm>>
    tpu.wait_dma2 semaphore(%dma_wait3A_499 : memref<!tpu.dma_semaphore, #tpu.memory_space<semaphore_mem>>) src(%dma_wait3A_508 : memref<56x64x384xf32, #tpu.memory_space<hbm>>) dst(%dma_wait3A_504 : memref<56x64x384xf32, #tpu.memory_space<vmem>>)
    %dma_wait3A_509 = arith.constant 3 : i32
    %dma_wait3A_510 = arith.constant 3 : i32
    %dma_wait3A_511 = tpu.memref_slice %arg7[%dma_wait3A_510] : memref<4x!tpu.dma_semaphore, #tpu.memory_space<semaphore_mem>> -> memref<1x!tpu.dma_semaphore, #tpu.memory_space<semaphore_mem>>
    %dma_wait3A_512 = tpu.memref_squeeze %dma_wait3A_511 : memref<1x!tpu.dma_semaphore, #tpu.memory_space<semaphore_mem>> -> memref<!tpu.dma_semaphore, #tpu.memory_space<semaphore_mem>>
    %dma_wait3A_513 = arith.constant 0 : i32
    %dma_wait3A_514 = arith.constant 0 : i32
    %dma_wait3A_515 = arith.constant 0 : i32
    %dma_wait3A_516 = tpu.memref_slice %arg3[%dma_wait3A_513, %dma_wait3A_514, %dma_wait3A_515] : memref<784x64x384xf32, #tpu.memory_space<hbm>> -> memref<56x64x384xf32, #tpu.memory_space<hbm>>
    %dma_wait3A_517 = arith.constant 0 : i32
    %dma_wait3A_518 = arith.constant 0 : i32
    %dma_wait3A_519 = arith.constant 0 : i32
    %dma_wait3A_520 = tpu.memref_slice %arg5[%dma_wait3A_509, %dma_wait3A_517, %dma_wait3A_518, %dma_wait3A_519] : memref<4x56x64x384xf32, #tpu.memory_space<vmem>> -> memref<1x56x64x384xf32, #tpu.memory_space<vmem>>
    %dma_wait3A_521 = tpu.memref_squeeze %dma_wait3A_520 : memref<1x56x64x384xf32, #tpu.memory_space<vmem>> -> memref<56x64x384xf32, #tpu.memory_space<vmem>>
    tpu.wait_dma2 semaphore(%dma_wait3A_512 : memref<!tpu.dma_semaphore, #tpu.memory_space<semaphore_mem>>) src(%dma_wait3A_521 : memref<56x64x384xf32, #tpu.memory_space<vmem>>) dst(%dma_wait3A_516 : memref<56x64x384xf32, #tpu.memory_space<hbm>>)
    %get3A_522 = arith.constant 3 : index
    %get3A_523 = arith.constant 0 : index
    %get3A_524 = arith.constant 0 : index
    %get3A_525 = arith.constant 0 : index
    %get3A_526 = vector.load %arg4[%get3A_522, %get3A_523, %get3A_524, %get3A_525] : memref<4x56x64x384xf32, #tpu.memory_space<vmem>>, vector<1x56x64x384xf32>
    %get3A_527 = vector.shape_cast %get3A_526 : vector<1x56x64x384xf32> to vector<56x64x384xf32>
    %broadcast_in_dim3A_528 = vector.shape_cast %get3A_1 : vector<64x384xf32> to vector<1x64x384xf32>
    %mul3A_529 = vector.broadcast %broadcast_in_dim3A_528 : vector<1x64x384xf32> to vector<56x64x384xf32>
    %mul3A_530 = arith.mulf %get3A_527, %mul3A_529 : vector<56x64x384xf32>
    %broadcast_in_dim3A_531 = vector.shape_cast %get3A_4 : vector<64x384xf32> to vector<1x64x384xf32>
    %add3A_532 = vector.broadcast %broadcast_in_dim3A_531 : vector<1x64x384xf32> to vector<56x64x384xf32>
    %add3A_533 = arith.addf %mul3A_530, %add3A_532 : vector<56x64x384xf32>
    %swap3A_534 = arith.constant 3 : index
    %swap3A_535 = arith.constant 0 : index
    %swap3A_536 = arith.constant 0 : index
    %swap3A_537 = arith.constant 0 : index
    %swap3A_538 = vector.load %arg5[%swap3A_534, %swap3A_535, %swap3A_536, %swap3A_537] : memref<4x56x64x384xf32, #tpu.memory_space<vmem>>, vector<1x56x64x384xf32>
    %swap3A_539 = vector.shape_cast %swap3A_538 : vector<1x56x64x384xf32> to vector<56x64x384xf32>
    %swap3A_540 = vector.shape_cast %add3A_533 : vector<56x64x384xf32> to vector<1x56x64x384xf32>
    tpu.vector_store %arg5[%swap3A_534, %swap3A_535, %swap3A_536, %swap3A_537], %swap3A_540 {strides = array<i32>} : memref<4x56x64x384xf32, #tpu.memory_space<vmem>>, vector<1x56x64x384xf32>,
    %dma_start3A_541 = arith.constant 3 : i32
    %dma_start3A_542 = arith.constant 3 : i32
    %dma_start3A_543 = tpu.memref_slice %arg7[%dma_start3A_542] : memref<4x!tpu.dma_semaphore, #tpu.memory_space<semaphore_mem>> -> memref<1x!tpu.dma_semaphore, #tpu.memory_space<semaphore_mem>>
    %dma_start3A_544 = tpu.memref_squeeze %dma_start3A_543 : memref<1x!tpu.dma_semaphore, #tpu.memory_space<semaphore_mem>> -> memref<!tpu.dma_semaphore, #tpu.memory_space<semaphore_mem>>
    %dma_start3A_545 = arith.constant 392 : i32
    %dma_start3A_546 = arith.constant 0 : i32
    %dma_start3A_547 = arith.constant 0 : i32
    %dma_start3A_548 = tpu.memref_slice %arg3[%dma_start3A_545, %dma_start3A_546, %dma_start3A_547] : memref<784x64x384xf32, #tpu.memory_space<hbm>> -> memref<56x64x384xf32, #tpu.memory_space<hbm>>
    %dma_start3A_549 = arith.constant 0 : i32
    %dma_start3A_550 = arith.constant 0 : i32
    %dma_start3A_551 = arith.constant 0 : i32
    %dma_start3A_552 = tpu.memref_slice %arg5[%dma_start3A_541, %dma_start3A_549, %dma_start3A_550, %dma_start3A_551] : memref<4x56x64x384xf32, #tpu.memory_space<vmem>> -> memref<1x56x64x384xf32, #tpu.memory_space<vmem>>
    %dma_start3A_553 = tpu.memref_squeeze %dma_start3A_552 : memref<1x56x64x384xf32, #tpu.memory_space<vmem>> -> memref<56x64x384xf32, #tpu.memory_space<vmem>>
    tpu.enqueue_dma source(%dma_start3A_553 : memref<56x64x384xf32, #tpu.memory_space<vmem>>) target(%dma_start3A_548 : memref<56x64x384xf32, #tpu.memory_space<hbm>>) target_semaphore(%dma_start3A_544 : memref<!tpu.dma_semaphore, #tpu.memory_space<semaphore_mem>>) {priority = 1 : i32}
    %dma_start3A_554 = arith.constant 3 : i32
    %dma_start3A_555 = arith.constant 3 : i32
    %dma_start3A_556 = tpu.memref_slice %arg6[%dma_start3A_555] : memref<4x!tpu.dma_semaphore, #tpu.memory_space<semaphore_mem>> -> memref<1x!tpu.dma_semaphore, #tpu.memory_space<semaphore_mem>>
    %dma_start3A_557 = tpu.memref_squeeze %dma_start3A_556 : memref<1x!tpu.dma_semaphore, #tpu.memory_space<semaphore_mem>> -> memref<!tpu.dma_semaphore, #tpu.memory_space<semaphore_mem>>
    %dma_start3A_558 = arith.constant 0 : i32
    %dma_start3A_559 = arith.constant 0 : i32
    %dma_start3A_560 = arith.constant 0 : i32
    %dma_start3A_561 = tpu.memref_slice %arg4[%dma_start3A_554, %dma_start3A_558, %dma_start3A_559, %dma_start3A_560] : memref<4x56x64x384xf32, #tpu.memory_space<vmem>> -> memref<1x56x64x384xf32, #tpu.memory_space<vmem>>
    %dma_start3A_562 = tpu.memref_squeeze %dma_start3A_561 : memref<1x56x64x384xf32, #tpu.memory_space<vmem>> -> memref<56x64x384xf32, #tpu.memory_space<vmem>>
    %dma_start3A_563 = arith.constant 616 : i32
    %dma_start3A_564 = arith.constant 0 : i32
    %dma_start3A_565 = arith.constant 0 : i32
    %dma_start3A_566 = tpu.memref_slice %arg0[%dma_start3A_563, %dma_start3A_564, %dma_start3A_565] : memref<784x64x384xf32, #tpu.memory_space<hbm>> -> memref<56x64x384xf32, #tpu.memory_space<hbm>>
    tpu.enqueue_dma source(%dma_start3A_566 : memref<56x64x384xf32, #tpu.memory_space<hbm>>) target(%dma_start3A_562 : memref<56x64x384xf32, #tpu.memory_space<vmem>>) target_semaphore(%dma_start3A_557 : memref<!tpu.dma_semaphore, #tpu.memory_space<semaphore_mem>>)
    %dma_wait3A_567 = arith.constant 0 : i32
    %dma_wait3A_568 = arith.constant 0 : i32
    %dma_wait3A_569 = tpu.memref_slice %arg6[%dma_wait3A_568] : memref<4x!tpu.dma_semaphore, #tpu.memory_space<semaphore_mem>> -> memref<1x!tpu.dma_semaphore, #tpu.memory_space<semaphore_mem>>
    %dma_wait3A_570 = tpu.memref_squeeze %dma_wait3A_569 : memref<1x!tpu.dma_semaphore, #tpu.memory_space<semaphore_mem>> -> memref<!tpu.dma_semaphore, #tpu.memory_space<semaphore_mem>>
    %dma_wait3A_571 = arith.constant 0 : i32
    %dma_wait3A_572 = arith.constant 0 : i32
    %dma_wait3A_573 = arith.constant 0 : i32
    %dma_wait3A_574 = tpu.memref_slice %arg4[%dma_wait3A_567, %dma_wait3A_571, %dma_wait3A_572, %dma_wait3A_573] : memref<4x56x64x384xf32, #tpu.memory_space<vmem>> -> memref<1x56x64x384xf32, #tpu.memory_space<vmem>>
    %dma_wait3A_575 = tpu.memref_squeeze %dma_wait3A_574 : memref<1x56x64x384xf32, #tpu.memory_space<vmem>> -> memref<56x64x384xf32, #tpu.memory_space<vmem>>
    %dma_wait3A_576 = arith.constant 448 : i32
    %dma_wait3A_577 = arith.constant 0 : i32
    %dma_wait3A_578 = arith.constant 0 : i32
    %dma_wait3A_579 = tpu.memref_slice %arg0[%dma_wait3A_576, %dma_wait3A_577, %dma_wait3A_578] : memref<784x64x384xf32, #tpu.memory_space<hbm>> -> memref<56x64x384xf32, #tpu.memory_space<hbm>>
    tpu.wait_dma2 semaphore(%dma_wait3A_570 : memref<!tpu.dma_semaphore, #tpu.memory_space<semaphore_mem>>) src(%dma_wait3A_579 : memref<56x64x384xf32, #tpu.memory_space<hbm>>) dst(%dma_wait3A_575 : memref<56x64x384xf32, #tpu.memory_space<vmem>>)
    %dma_wait3A_580 = arith.constant 0 : i32
    %dma_wait3A_581 = arith.constant 0 : i32
    %dma_wait3A_582 = tpu.memref_slice %arg7[%dma_wait3A_581] : memref<4x!tpu.dma_semaphore, #tpu.memory_space<semaphore_mem>> -> memref<1x!tpu.dma_semaphore, #tpu.memory_space<semaphore_mem>>
    %dma_wait3A_583 = tpu.memref_squeeze %dma_wait3A_582 : memref<1x!tpu.dma_semaphore, #tpu.memory_space<semaphore_mem>> -> memref<!tpu.dma_semaphore, #tpu.memory_space<semaphore_mem>>
    %dma_wait3A_584 = arith.constant 0 : i32
    %dma_wait3A_585 = arith.constant 0 : i32
    %dma_wait3A_586 = arith.constant 0 : i32
    %dma_wait3A_587 = tpu.memref_slice %arg3[%dma_wait3A_584, %dma_wait3A_585, %dma_wait3A_586] : memref<784x64x384xf32, #tpu.memory_space<hbm>> -> memref<56x64x384xf32, #tpu.memory_space<hbm>>
    %dma_wait3A_588 = arith.constant 0 : i32
    %dma_wait3A_589 = arith.constant 0 : i32
    %dma_wait3A_590 = arith.constant 0 : i32
    %dma_wait3A_591 = tpu.memref_slice %arg5[%dma_wait3A_580, %dma_wait3A_588, %dma_wait3A_589, %dma_wait3A_590] : memref<4x56x64x384xf32, #tpu.memory_space<vmem>> -> memref<1x56x64x384xf32, #tpu.memory_space<vmem>>
    %dma_wait3A_592 = tpu.memref_squeeze %dma_wait3A_591 : memref<1x56x64x384xf32, #tpu.memory_space<vmem>> -> memref<56x64x384xf32, #tpu.memory_space<vmem>>
    tpu.wait_dma2 semaphore(%dma_wait3A_583 : memref<!tpu.dma_semaphore, #tpu.memory_space<semaphore_mem>>) src(%dma_wait3A_592 : memref<56x64x384xf32, #tpu.memory_space<vmem>>) dst(%dma_wait3A_587 : memref<56x64x384xf32, #tpu.memory_space<hbm>>)
    %get3A_593 = arith.constant 0 : index
    %get3A_594 = arith.constant 0 : index
    %get3A_595 = arith.constant 0 : index
    %get3A_596 = arith.constant 0 : index
    %get3A_597 = vector.load %arg4[%get3A_593, %get3A_594, %get3A_595, %get3A_596] : memref<4x56x64x384xf32, #tpu.memory_space<vmem>>, vector<1x56x64x384xf32>
    %get3A_598 = vector.shape_cast %get3A_597 : vector<1x56x64x384xf32> to vector<56x64x384xf32>
    %broadcast_in_dim3A_599 = vector.shape_cast %get3A_1 : vector<64x384xf32> to vector<1x64x384xf32>
    %mul3A_600 = vector.broadcast %broadcast_in_dim3A_599 : vector<1x64x384xf32> to vector<56x64x384xf32>
    %mul3A_601 = arith.mulf %get3A_598, %mul3A_600 : vector<56x64x384xf32>
    %broadcast_in_dim3A_602 = vector.shape_cast %get3A_4 : vector<64x384xf32> to vector<1x64x384xf32>
    %add3A_603 = vector.broadcast %broadcast_in_dim3A_602 : vector<1x64x384xf32> to vector<56x64x384xf32>
    %add3A_604 = arith.addf %mul3A_601, %add3A_603 : vector<56x64x384xf32>
    %swap3A_605 = arith.constant 0 : index
    %swap3A_606 = arith.constant 0 : index
    %swap3A_607 = arith.constant 0 : index
    %swap3A_608 = arith.constant 0 : index
    %swap3A_609 = vector.load %arg5[%swap3A_605, %swap3A_606, %swap3A_607, %swap3A_608] : memref<4x56x64x384xf32, #tpu.memory_space<vmem>>, vector<1x56x64x384xf32>
    %swap3A_610 = vector.shape_cast %swap3A_609 : vector<1x56x64x384xf32> to vector<56x64x384xf32>
    %swap3A_611 = vector.shape_cast %add3A_604 : vector<56x64x384xf32> to vector<1x56x64x384xf32>
    tpu.vector_store %arg5[%swap3A_605, %swap3A_606, %swap3A_607, %swap3A_608], %swap3A_611 {strides = array<i32>} : memref<4x56x64x384xf32, #tpu.memory_space<vmem>>, vector<1x56x64x384xf32>,
    %dma_start3A_612 = arith.constant 0 : i32
    %dma_start3A_613 = arith.constant 0 : i32
    %dma_start3A_614 = tpu.memref_slice %arg7[%dma_start3A_613] : memref<4x!tpu.dma_semaphore, #tpu.memory_space<semaphore_mem>> -> memref<1x!tpu.dma_semaphore, #tpu.memory_space<semaphore_mem>>
    %dma_start3A_615 = tpu.memref_squeeze %dma_start3A_614 : memref<1x!tpu.dma_semaphore, #tpu.memory_space<semaphore_mem>> -> memref<!tpu.dma_semaphore, #tpu.memory_space<semaphore_mem>>
    %dma_start3A_616 = arith.constant 448 : i32
    %dma_start3A_617 = arith.constant 0 : i32
    %dma_start3A_618 = arith.constant 0 : i32
    %dma_start3A_619 = tpu.memref_slice %arg3[%dma_start3A_616, %dma_start3A_617, %dma_start3A_618] : memref<784x64x384xf32, #tpu.memory_space<hbm>> -> memref<56x64x384xf32, #tpu.memory_space<hbm>>
    %dma_start3A_620 = arith.constant 0 : i32
    %dma_start3A_621 = arith.constant 0 : i32
    %dma_start3A_622 = arith.constant 0 : i32
    %dma_start3A_623 = tpu.memref_slice %arg5[%dma_start3A_612, %dma_start3A_620, %dma_start3A_621, %dma_start3A_622] : memref<4x56x64x384xf32, #tpu.memory_space<vmem>> -> memref<1x56x64x384xf32, #tpu.memory_space<vmem>>
    %dma_start3A_624 = tpu.memref_squeeze %dma_start3A_623 : memref<1x56x64x384xf32, #tpu.memory_space<vmem>> -> memref<56x64x384xf32, #tpu.memory_space<vmem>>
    tpu.enqueue_dma source(%dma_start3A_624 : memref<56x64x384xf32, #tpu.memory_space<vmem>>) target(%dma_start3A_619 : memref<56x64x384xf32, #tpu.memory_space<hbm>>) target_semaphore(%dma_start3A_615 : memref<!tpu.dma_semaphore, #tpu.memory_space<semaphore_mem>>) {priority = 1 : i32}
    %dma_start3A_625 = arith.constant 0 : i32
    %dma_start3A_626 = arith.constant 0 : i32
    %dma_start3A_627 = tpu.memref_slice %arg6[%dma_start3A_626] : memref<4x!tpu.dma_semaphore, #tpu.memory_space<semaphore_mem>> -> memref<1x!tpu.dma_semaphore, #tpu.memory_space<semaphore_mem>>
    %dma_start3A_628 = tpu.memref_squeeze %dma_start3A_627 : memref<1x!tpu.dma_semaphore, #tpu.memory_space<semaphore_mem>> -> memref<!tpu.dma_semaphore, #tpu.memory_space<semaphore_mem>>
    %dma_start3A_629 = arith.constant 0 : i32
    %dma_start3A_630 = arith.constant 0 : i32
    %dma_start3A_631 = arith.constant 0 : i32
    %dma_start3A_632 = tpu.memref_slice %arg4[%dma_start3A_625, %dma_start3A_629, %dma_start3A_630, %dma_start3A_631] : memref<4x56x64x384xf32, #tpu.memory_space<vmem>> -> memref<1x56x64x384xf32, #tpu.memory_space<vmem>>
    %dma_start3A_633 = tpu.memref_squeeze %dma_start3A_632 : memref<1x56x64x384xf32, #tpu.memory_space<vmem>> -> memref<56x64x384xf32, #tpu.memory_space<vmem>>
    %dma_start3A_634 = arith.constant 672 : i32
    %dma_start3A_635 = arith.constant 0 : i32
    %dma_start3A_636 = arith.constant 0 : i32
    %dma_start3A_637 = tpu.memref_slice %arg0[%dma_start3A_634, %dma_start3A_635, %dma_start3A_636] : memref<784x64x384xf32, #tpu.memory_space<hbm>> -> memref<56x64x384xf32, #tpu.memory_space<hbm>>
    tpu.enqueue_dma source(%dma_start3A_637 : memref<56x64x384xf32, #tpu.memory_space<hbm>>) target(%dma_start3A_633 : memref<56x64x384xf32, #tpu.memory_space<vmem>>) target_semaphore(%dma_start3A_628 : memref<!tpu.dma_semaphore, #tpu.memory_space<semaphore_mem>>)
    %dma_wait3A_638 = arith.constant 1 : i32
    %dma_wait3A_639 = arith.constant 1 : i32
    %dma_wait3A_640 = tpu.memref_slice %arg6[%dma_wait3A_639] : memref<4x!tpu.dma_semaphore, #tpu.memory_space<semaphore_mem>> -> memref<1x!tpu.dma_semaphore, #tpu.memory_space<semaphore_mem>>
    %dma_wait3A_641 = tpu.memref_squeeze %dma_wait3A_640 : memref<1x!tpu.dma_semaphore, #tpu.memory_space<semaphore_mem>> -> memref<!tpu.dma_semaphore, #tpu.memory_space<semaphore_mem>>
    %dma_wait3A_642 = arith.constant 0 : i32
    %dma_wait3A_643 = arith.constant 0 : i32
    %dma_wait3A_644 = arith.constant 0 : i32
    %dma_wait3A_645 = tpu.memref_slice %arg4[%dma_wait3A_638, %dma_wait3A_642, %dma_wait3A_643, %dma_wait3A_644] : memref<4x56x64x384xf32, #tpu.memory_space<vmem>> -> memref<1x56x64x384xf32, #tpu.memory_space<vmem>>
    %dma_wait3A_646 = tpu.memref_squeeze %dma_wait3A_645 : memref<1x56x64x384xf32, #tpu.memory_space<vmem>> -> memref<56x64x384xf32, #tpu.memory_space<vmem>>
    %dma_wait3A_647 = arith.constant 504 : i32
    %dma_wait3A_648 = arith.constant 0 : i32
    %dma_wait3A_649 = arith.constant 0 : i32
    %dma_wait3A_650 = tpu.memref_slice %arg0[%dma_wait3A_647, %dma_wait3A_648, %dma_wait3A_649] : memref<784x64x384xf32, #tpu.memory_space<hbm>> -> memref<56x64x384xf32, #tpu.memory_space<hbm>>
    tpu.wait_dma2 semaphore(%dma_wait3A_641 : memref<!tpu.dma_semaphore, #tpu.memory_space<semaphore_mem>>) src(%dma_wait3A_650 : memref<56x64x384xf32, #tpu.memory_space<hbm>>) dst(%dma_wait3A_646 : memref<56x64x384xf32, #tpu.memory_space<vmem>>)
    %dma_wait3A_651 = arith.constant 1 : i32
    %dma_wait3A_652 = arith.constant 1 : i32
    %dma_wait3A_653 = tpu.memref_slice %arg7[%dma_wait3A_652] : memref<4x!tpu.dma_semaphore, #tpu.memory_space<semaphore_mem>> -> memref<1x!tpu.dma_semaphore, #tpu.memory_space<semaphore_mem>>
    %dma_wait3A_654 = tpu.memref_squeeze %dma_wait3A_653 : memref<1x!tpu.dma_semaphore, #tpu.memory_space<semaphore_mem>> -> memref<!tpu.dma_semaphore, #tpu.memory_space<semaphore_mem>>
    %dma_wait3A_655 = arith.constant 0 : i32
    %dma_wait3A_656 = arith.constant 0 : i32
    %dma_wait3A_657 = arith.constant 0 : i32
    %dma_wait3A_658 = tpu.memref_slice %arg3[%dma_wait3A_655, %dma_wait3A_656, %dma_wait3A_657] : memref<784x64x384xf32, #tpu.memory_space<hbm>> -> memref<56x64x384xf32, #tpu.memory_space<hbm>>
    %dma_wait3A_659 = arith.constant 0 : i32
    %dma_wait3A_660 = arith.constant 0 : i32
    %dma_wait3A_661 = arith.constant 0 : i32
    %dma_wait3A_662 = tpu.memref_slice %arg5[%dma_wait3A_651, %dma_wait3A_659, %dma_wait3A_660, %dma_wait3A_661] : memref<4x56x64x384xf32, #tpu.memory_space<vmem>> -> memref<1x56x64x384xf32, #tpu.memory_space<vmem>>
    %dma_wait3A_663 = tpu.memref_squeeze %dma_wait3A_662 : memref<1x56x64x384xf32, #tpu.memory_space<vmem>> -> memref<56x64x384xf32, #tpu.memory_space<vmem>>
    tpu.wait_dma2 semaphore(%dma_wait3A_654 : memref<!tpu.dma_semaphore, #tpu.memory_space<semaphore_mem>>) src(%dma_wait3A_663 : memref<56x64x384xf32, #tpu.memory_space<vmem>>) dst(%dma_wait3A_658 : memref<56x64x384xf32, #tpu.memory_space<hbm>>)
    %get3A_664 = arith.constant 1 : index
    %get3A_665 = arith.constant 0 : index
    %get3A_666 = arith.constant 0 : index
    %get3A_667 = arith.constant 0 : index
    %get3A_668 = vector.load %arg4[%get3A_664, %get3A_665, %get3A_666, %get3A_667] : memref<4x56x64x384xf32, #tpu.memory_space<vmem>>, vector<1x56x64x384xf32>
    %get3A_669 = vector.shape_cast %get3A_668 : vector<1x56x64x384xf32> to vector<56x64x384xf32>
    %broadcast_in_dim3A_670 = vector.shape_cast %get3A_1 : vector<64x384xf32> to vector<1x64x384xf32>
    %mul3A_671 = vector.broadcast %broadcast_in_dim3A_670 : vector<1x64x384xf32> to vector<56x64x384xf32>
    %mul3A_672 = arith.mulf %get3A_669, %mul3A_671 : vector<56x64x384xf32>
    %broadcast_in_dim3A_673 = vector.shape_cast %get3A_4 : vector<64x384xf32> to vector<1x64x384xf32>
    %add3A_674 = vector.broadcast %broadcast_in_dim3A_673 : vector<1x64x384xf32> to vector<56x64x384xf32>
    %add3A_675 = arith.addf %mul3A_672, %add3A_674 : vector<56x64x384xf32>
    %swap3A_676 = arith.constant 1 : index
    %swap3A_677 = arith.constant 0 : index
    %swap3A_678 = arith.constant 0 : index
    %swap3A_679 = arith.constant 0 : index
    %swap3A_680 = vector.load %arg5[%swap3A_676, %swap3A_677, %swap3A_678, %swap3A_679] : memref<4x56x64x384xf32, #tpu.memory_space<vmem>>, vector<1x56x64x384xf32>
    %swap3A_681 = vector.shape_cast %swap3A_680 : vector<1x56x64x384xf32> to vector<56x64x384xf32>
    %swap3A_682 = vector.shape_cast %add3A_675 : vector<56x64x384xf32> to vector<1x56x64x384xf32>
    tpu.vector_store %arg5[%swap3A_676, %swap3A_677, %swap3A_678, %swap3A_679], %swap3A_682 {strides = array<i32>} : memref<4x56x64x384xf32, #tpu.memory_space<vmem>>, vector<1x56x64x384xf32>,
    %dma_start3A_683 = arith.constant 1 : i32
    %dma_start3A_684 = arith.constant 1 : i32
    %dma_start3A_685 = tpu.memref_slice %arg7[%dma_start3A_684] : memref<4x!tpu.dma_semaphore, #tpu.memory_space<semaphore_mem>> -> memref<1x!tpu.dma_semaphore, #tpu.memory_space<semaphore_mem>>
    %dma_start3A_686 = tpu.memref_squeeze %dma_start3A_685 : memref<1x!tpu.dma_semaphore, #tpu.memory_space<semaphore_mem>> -> memref<!tpu.dma_semaphore, #tpu.memory_space<semaphore_mem>>
    %dma_start3A_687 = arith.constant 504 : i32
    %dma_start3A_688 = arith.constant 0 : i32
    %dma_start3A_689 = arith.constant 0 : i32
    %dma_start3A_690 = tpu.memref_slice %arg3[%dma_start3A_687, %dma_start3A_688, %dma_start3A_689] : memref<784x64x384xf32, #tpu.memory_space<hbm>> -> memref<56x64x384xf32, #tpu.memory_space<hbm>>
    %dma_start3A_691 = arith.constant 0 : i32
    %dma_start3A_692 = arith.constant 0 : i32
    %dma_start3A_693 = arith.constant 0 : i32
    %dma_start3A_694 = tpu.memref_slice %arg5[%dma_start3A_683, %dma_start3A_691, %dma_start3A_692, %dma_start3A_693] : memref<4x56x64x384xf32, #tpu.memory_space<vmem>> -> memref<1x56x64x384xf32, #tpu.memory_space<vmem>>
    %dma_start3A_695 = tpu.memref_squeeze %dma_start3A_694 : memref<1x56x64x384xf32, #tpu.memory_space<vmem>> -> memref<56x64x384xf32, #tpu.memory_space<vmem>>
    tpu.enqueue_dma source(%dma_start3A_695 : memref<56x64x384xf32, #tpu.memory_space<vmem>>) target(%dma_start3A_690 : memref<56x64x384xf32, #tpu.memory_space<hbm>>) target_semaphore(%dma_start3A_686 : memref<!tpu.dma_semaphore, #tpu.memory_space<semaphore_mem>>) {priority = 1 : i32}
    %dma_start3A_696 = arith.constant 1 : i32
    %dma_start3A_697 = arith.constant 1 : i32
    %dma_start3A_698 = tpu.memref_slice %arg6[%dma_start3A_697] : memref<4x!tpu.dma_semaphore, #tpu.memory_space<semaphore_mem>> -> memref<1x!tpu.dma_semaphore, #tpu.memory_space<semaphore_mem>>
    %dma_start3A_699 = tpu.memref_squeeze %dma_start3A_698 : memref<1x!tpu.dma_semaphore, #tpu.memory_space<semaphore_mem>> -> memref<!tpu.dma_semaphore, #tpu.memory_space<semaphore_mem>>
    %dma_start3A_700 = arith.constant 0 : i32
    %dma_start3A_701 = arith.constant 0 : i32
    %dma_start3A_702 = arith.constant 0 : i32
    %dma_start3A_703 = tpu.memref_slice %arg4[%dma_start3A_696, %dma_start3A_700, %dma_start3A_701, %dma_start3A_702] : memref<4x56x64x384xf32, #tpu.memory_space<vmem>> -> memref<1x56x64x384xf32, #tpu.memory_space<vmem>>
    %dma_start3A_704 = tpu.memref_squeeze %dma_start3A_703 : memref<1x56x64x384xf32, #tpu.memory_space<vmem>> -> memref<56x64x384xf32, #tpu.memory_space<vmem>>
    %dma_start3A_705 = arith.constant 728 : i32
    %dma_start3A_706 = arith.constant 0 : i32
    %dma_start3A_707 = arith.constant 0 : i32
    %dma_start3A_708 = tpu.memref_slice %arg0[%dma_start3A_705, %dma_start3A_706, %dma_start3A_707] : memref<784x64x384xf32, #tpu.memory_space<hbm>> -> memref<56x64x384xf32, #tpu.memory_space<hbm>>
    tpu.enqueue_dma source(%dma_start3A_708 : memref<56x64x384xf32, #tpu.memory_space<hbm>>) target(%dma_start3A_704 : memref<56x64x384xf32, #tpu.memory_space<vmem>>) target_semaphore(%dma_start3A_699 : memref<!tpu.dma_semaphore, #tpu.memory_space<semaphore_mem>>)
    %dma_wait3A_709 = arith.constant 2 : i32
    %dma_wait3A_710 = arith.constant 2 : i32
    %dma_wait3A_711 = tpu.memref_slice %arg6[%dma_wait3A_710] : memref<4x!tpu.dma_semaphore, #tpu.memory_space<semaphore_mem>> -> memref<1x!tpu.dma_semaphore, #tpu.memory_space<semaphore_mem>>
    %dma_wait3A_712 = tpu.memref_squeeze %dma_wait3A_711 : memref<1x!tpu.dma_semaphore, #tpu.memory_space<semaphore_mem>> -> memref<!tpu.dma_semaphore, #tpu.memory_space<semaphore_mem>>
    %dma_wait3A_713 = arith.constant 0 : i32
    %dma_wait3A_714 = arith.constant 0 : i32
    %dma_wait3A_715 = arith.constant 0 : i32
    %dma_wait3A_716 = tpu.memref_slice %arg4[%dma_wait3A_709, %dma_wait3A_713, %dma_wait3A_714, %dma_wait3A_715] : memref<4x56x64x384xf32, #tpu.memory_space<vmem>> -> memref<1x56x64x384xf32, #tpu.memory_space<vmem>>
    %dma_wait3A_717 = tpu.memref_squeeze %dma_wait3A_716 : memref<1x56x64x384xf32, #tpu.memory_space<vmem>> -> memref<56x64x384xf32, #tpu.memory_space<vmem>>
    %dma_wait3A_718 = arith.constant 560 : i32
    %dma_wait3A_719 = arith.constant 0 : i32
    %dma_wait3A_720 = arith.constant 0 : i32
    %dma_wait3A_721 = tpu.memref_slice %arg0[%dma_wait3A_718, %dma_wait3A_719, %dma_wait3A_720] : memref<784x64x384xf32, #tpu.memory_space<hbm>> -> memref<56x64x384xf32, #tpu.memory_space<hbm>>
    tpu.wait_dma2 semaphore(%dma_wait3A_712 : memref<!tpu.dma_semaphore, #tpu.memory_space<semaphore_mem>>) src(%dma_wait3A_721 : memref<56x64x384xf32, #tpu.memory_space<hbm>>) dst(%dma_wait3A_717 : memref<56x64x384xf32, #tpu.memory_space<vmem>>)
    %dma_wait3A_722 = arith.constant 2 : i32
    %dma_wait3A_723 = arith.constant 2 : i32
    %dma_wait3A_724 = tpu.memref_slice %arg7[%dma_wait3A_723] : memref<4x!tpu.dma_semaphore, #tpu.memory_space<semaphore_mem>> -> memref<1x!tpu.dma_semaphore, #tpu.memory_space<semaphore_mem>>
    %dma_wait3A_725 = tpu.memref_squeeze %dma_wait3A_724 : memref<1x!tpu.dma_semaphore, #tpu.memory_space<semaphore_mem>> -> memref<!tpu.dma_semaphore, #tpu.memory_space<semaphore_mem>>
    %dma_wait3A_726 = arith.constant 0 : i32
    %dma_wait3A_727 = arith.constant 0 : i32
    %dma_wait3A_728 = arith.constant 0 : i32
    %dma_wait3A_729 = tpu.memref_slice %arg3[%dma_wait3A_726, %dma_wait3A_727, %dma_wait3A_728] : memref<784x64x384xf32, #tpu.memory_space<hbm>> -> memref<56x64x384xf32, #tpu.memory_space<hbm>>
    %dma_wait3A_730 = arith.constant 0 : i32
    %dma_wait3A_731 = arith.constant 0 : i32
    %dma_wait3A_732 = arith.constant 0 : i32
    %dma_wait3A_733 = tpu.memref_slice %arg5[%dma_wait3A_722, %dma_wait3A_730, %dma_wait3A_731, %dma_wait3A_732] : memref<4x56x64x384xf32, #tpu.memory_space<vmem>> -> memref<1x56x64x384xf32, #tpu.memory_space<vmem>>
    %dma_wait3A_734 = tpu.memref_squeeze %dma_wait3A_733 : memref<1x56x64x384xf32, #tpu.memory_space<vmem>> -> memref<56x64x384xf32, #tpu.memory_space<vmem>>
    tpu.wait_dma2 semaphore(%dma_wait3A_725 : memref<!tpu.dma_semaphore, #tpu.memory_space<semaphore_mem>>) src(%dma_wait3A_734 : memref<56x64x384xf32, #tpu.memory_space<vmem>>) dst(%dma_wait3A_729 : memref<56x64x384xf32, #tpu.memory_space<hbm>>)
    %get3A_735 = arith.constant 2 : index
    %get3A_736 = arith.constant 0 : index
    %get3A_737 = arith.constant 0 : index
    %get3A_738 = arith.constant 0 : index
    %get3A_739 = vector.load %arg4[%get3A_735, %get3A_736, %get3A_737, %get3A_738] : memref<4x56x64x384xf32, #tpu.memory_space<vmem>>, vector<1x56x64x384xf32>
    %get3A_740 = vector.shape_cast %get3A_739 : vector<1x56x64x384xf32> to vector<56x64x384xf32>
    %broadcast_in_dim3A_741 = vector.shape_cast %get3A_1 : vector<64x384xf32> to vector<1x64x384xf32>
    %mul3A_742 = vector.broadcast %broadcast_in_dim3A_741 : vector<1x64x384xf32> to vector<56x64x384xf32>
    %mul3A_743 = arith.mulf %get3A_740, %mul3A_742 : vector<56x64x384xf32>
    %broadcast_in_dim3A_744 = vector.shape_cast %get3A_4 : vector<64x384xf32> to vector<1x64x384xf32>
    %add3A_745 = vector.broadcast %broadcast_in_dim3A_744 : vector<1x64x384xf32> to vector<56x64x384xf32>
    %add3A_746 = arith.addf %mul3A_743, %add3A_745 : vector<56x64x384xf32>
    %swap3A_747 = arith.constant 2 : index
    %swap3A_748 = arith.constant 0 : index
    %swap3A_749 = arith.constant 0 : index
    %swap3A_750 = arith.constant 0 : index
    %swap3A_751 = vector.load %arg5[%swap3A_747, %swap3A_748, %swap3A_749, %swap3A_750] : memref<4x56x64x384xf32, #tpu.memory_space<vmem>>, vector<1x56x64x384xf32>
    %swap3A_752 = vector.shape_cast %swap3A_751 : vector<1x56x64x384xf32> to vector<56x64x384xf32>
    %swap3A_753 = vector.shape_cast %add3A_746 : vector<56x64x384xf32> to vector<1x56x64x384xf32>
    tpu.vector_store %arg5[%swap3A_747, %swap3A_748, %swap3A_749, %swap3A_750], %swap3A_753 {strides = array<i32>} : memref<4x56x64x384xf32, #tpu.memory_space<vmem>>, vector<1x56x64x384xf32>,
    %dma_start3A_754 = arith.constant 2 : i32
    %dma_start3A_755 = arith.constant 2 : i32
    %dma_start3A_756 = tpu.memref_slice %arg7[%dma_start3A_755] : memref<4x!tpu.dma_semaphore, #tpu.memory_space<semaphore_mem>> -> memref<1x!tpu.dma_semaphore, #tpu.memory_space<semaphore_mem>>
    %dma_start3A_757 = tpu.memref_squeeze %dma_start3A_756 : memref<1x!tpu.dma_semaphore, #tpu.memory_space<semaphore_mem>> -> memref<!tpu.dma_semaphore, #tpu.memory_space<semaphore_mem>>
    %dma_start3A_758 = arith.constant 560 : i32
    %dma_start3A_759 = arith.constant 0 : i32
    %dma_start3A_760 = arith.constant 0 : i32
    %dma_start3A_761 = tpu.memref_slice %arg3[%dma_start3A_758, %dma_start3A_759, %dma_start3A_760] : memref<784x64x384xf32, #tpu.memory_space<hbm>> -> memref<56x64x384xf32, #tpu.memory_space<hbm>>
    %dma_start3A_762 = arith.constant 0 : i32
    %dma_start3A_763 = arith.constant 0 : i32
    %dma_start3A_764 = arith.constant 0 : i32
    %dma_start3A_765 = tpu.memref_slice %arg5[%dma_start3A_754, %dma_start3A_762, %dma_start3A_763, %dma_start3A_764] : memref<4x56x64x384xf32, #tpu.memory_space<vmem>> -> memref<1x56x64x384xf32, #tpu.memory_space<vmem>>
    %dma_start3A_766 = tpu.memref_squeeze %dma_start3A_765 : memref<1x56x64x384xf32, #tpu.memory_space<vmem>> -> memref<56x64x384xf32, #tpu.memory_space<vmem>>
    tpu.enqueue_dma source(%dma_start3A_766 : memref<56x64x384xf32, #tpu.memory_space<vmem>>) target(%dma_start3A_761 : memref<56x64x384xf32, #tpu.memory_space<hbm>>) target_semaphore(%dma_start3A_757 : memref<!tpu.dma_semaphore, #tpu.memory_space<semaphore_mem>>) {priority = 1 : i32}
    %dma_wait3A_767 = arith.constant 3 : i32
    %dma_wait3A_768 = arith.constant 3 : i32
    %dma_wait3A_769 = tpu.memref_slice %arg6[%dma_wait3A_768] : memref<4x!tpu.dma_semaphore, #tpu.memory_space<semaphore_mem>> -> memref<1x!tpu.dma_semaphore, #tpu.memory_space<semaphore_mem>>
    %dma_wait3A_770 = tpu.memref_squeeze %dma_wait3A_769 : memref<1x!tpu.dma_semaphore, #tpu.memory_space<semaphore_mem>> -> memref<!tpu.dma_semaphore, #tpu.memory_space<semaphore_mem>>
    %dma_wait3A_771 = arith.constant 0 : i32
    %dma_wait3A_772 = arith.constant 0 : i32
    %dma_wait3A_773 = arith.constant 0 : i32
    %dma_wait3A_774 = tpu.memref_slice %arg4[%dma_wait3A_767, %dma_wait3A_771, %dma_wait3A_772, %dma_wait3A_773] : memref<4x56x64x384xf32, #tpu.memory_space<vmem>> -> memref<1x56x64x384xf32, #tpu.memory_space<vmem>>
    %dma_wait3A_775 = tpu.memref_squeeze %dma_wait3A_774 : memref<1x56x64x384xf32, #tpu.memory_space<vmem>> -> memref<56x64x384xf32, #tpu.memory_space<vmem>>
    %dma_wait3A_776 = arith.constant 616 : i32
    %dma_wait3A_777 = arith.constant 0 : i32
    %dma_wait3A_778 = arith.constant 0 : i32
    %dma_wait3A_779 = tpu.memref_slice %arg0[%dma_wait3A_776, %dma_wait3A_777, %dma_wait3A_778] : memref<784x64x384xf32, #tpu.memory_space<hbm>> -> memref<56x64x384xf32, #tpu.memory_space<hbm>>
    tpu.wait_dma2 semaphore(%dma_wait3A_770 : memref<!tpu.dma_semaphore, #tpu.memory_space<semaphore_mem>>) src(%dma_wait3A_779 : memref<56x64x384xf32, #tpu.memory_space<hbm>>) dst(%dma_wait3A_775 : memref<56x64x384xf32, #tpu.memory_space<vmem>>)
    %dma_wait3A_780 = arith.constant 3 : i32
    %dma_wait3A_781 = arith.constant 3 : i32
    %dma_wait3A_782 = tpu.memref_slice %arg7[%dma_wait3A_781] : memref<4x!tpu.dma_semaphore, #tpu.memory_space<semaphore_mem>> -> memref<1x!tpu.dma_semaphore, #tpu.memory_space<semaphore_mem>>
    %dma_wait3A_783 = tpu.memref_squeeze %dma_wait3A_782 : memref<1x!tpu.dma_semaphore, #tpu.memory_space<semaphore_mem>> -> memref<!tpu.dma_semaphore, #tpu.memory_space<semaphore_mem>>
    %dma_wait3A_784 = arith.constant 0 : i32
    %dma_wait3A_785 = arith.constant 0 : i32
    %dma_wait3A_786 = arith.constant 0 : i32
    %dma_wait3A_787 = tpu.memref_slice %arg3[%dma_wait3A_784, %dma_wait3A_785, %dma_wait3A_786] : memref<784x64x384xf32, #tpu.memory_space<hbm>> -> memref<56x64x384xf32, #tpu.memory_space<hbm>>
    %dma_wait3A_788 = arith.constant 0 : i32
    %dma_wait3A_789 = arith.constant 0 : i32
    %dma_wait3A_790 = arith.constant 0 : i32
    %dma_wait3A_791 = tpu.memref_slice %arg5[%dma_wait3A_780, %dma_wait3A_788, %dma_wait3A_789, %dma_wait3A_790] : memref<4x56x64x384xf32, #tpu.memory_space<vmem>> -> memref<1x56x64x384xf32, #tpu.memory_space<vmem>>
    %dma_wait3A_792 = tpu.memref_squeeze %dma_wait3A_791 : memref<1x56x64x384xf32, #tpu.memory_space<vmem>> -> memref<56x64x384xf32, #tpu.memory_space<vmem>>
    tpu.wait_dma2 semaphore(%dma_wait3A_783 : memref<!tpu.dma_semaphore, #tpu.memory_space<semaphore_mem>>) src(%dma_wait3A_792 : memref<56x64x384xf32, #tpu.memory_space<vmem>>) dst(%dma_wait3A_787 : memref<56x64x384xf32, #tpu.memory_space<hbm>>)
    %get3A_793 = arith.constant 3 : index
    %get3A_794 = arith.constant 0 : index
    %get3A_795 = arith.constant 0 : index
    %get3A_796 = arith.constant 0 : index
    %get3A_797 = vector.load %arg4[%get3A_793, %get3A_794, %get3A_795, %get3A_796] : memref<4x56x64x384xf32, #tpu.memory_space<vmem>>, vector<1x56x64x384xf32>
    %get3A_798 = vector.shape_cast %get3A_797 : vector<1x56x64x384xf32> to vector<56x64x384xf32>
    %broadcast_in_dim3A_799 = vector.shape_cast %get3A_1 : vector<64x384xf32> to vector<1x64x384xf32>
    %mul3A_800 = vector.broadcast %broadcast_in_dim3A_799 : vector<1x64x384xf32> to vector<56x64x384xf32>
    %mul3A_801 = arith.mulf %get3A_798, %mul3A_800 : vector<56x64x384xf32>
    %broadcast_in_dim3A_802 = vector.shape_cast %get3A_4 : vector<64x384xf32> to vector<1x64x384xf32>
    %add3A_803 = vector.broadcast %broadcast_in_dim3A_802 : vector<1x64x384xf32> to vector<56x64x384xf32>
    %add3A_804 = arith.addf %mul3A_801, %add3A_803 : vector<56x64x384xf32>
    %swap3A_805 = arith.constant 3 : index
    %swap3A_806 = arith.constant 0 : index
    %swap3A_807 = arith.constant 0 : index
    %swap3A_808 = arith.constant 0 : index
    %swap3A_809 = vector.load %arg5[%swap3A_805, %swap3A_806, %swap3A_807, %swap3A_808] : memref<4x56x64x384xf32, #tpu.memory_space<vmem>>, vector<1x56x64x384xf32>
    %swap3A_810 = vector.shape_cast %swap3A_809 : vector<1x56x64x384xf32> to vector<56x64x384xf32>
    %swap3A_811 = vector.shape_cast %add3A_804 : vector<56x64x384xf32> to vector<1x56x64x384xf32>
    tpu.vector_store %arg5[%swap3A_805, %swap3A_806, %swap3A_807, %swap3A_808], %swap3A_811 {strides = array<i32>} : memref<4x56x64x384xf32, #tpu.memory_space<vmem>>, vector<1x56x64x384xf32>,
    %dma_start3A_812 = arith.constant 3 : i32
    %dma_start3A_813 = arith.constant 3 : i32
    %dma_start3A_814 = tpu.memref_slice %arg7[%dma_start3A_813] : memref<4x!tpu.dma_semaphore, #tpu.memory_space<semaphore_mem>> -> memref<1x!tpu.dma_semaphore, #tpu.memory_space<semaphore_mem>>
    %dma_start3A_815 = tpu.memref_squeeze %dma_start3A_814 : memref<1x!tpu.dma_semaphore, #tpu.memory_space<semaphore_mem>> -> memref<!tpu.dma_semaphore, #tpu.memory_space<semaphore_mem>>
    %dma_start3A_816 = arith.constant 616 : i32
    %dma_start3A_817 = arith.constant 0 : i32
    %dma_start3A_818 = arith.constant 0 : i32
    %dma_start3A_819 = tpu.memref_slice %arg3[%dma_start3A_816, %dma_start3A_817, %dma_start3A_818] : memref<784x64x384xf32, #tpu.memory_space<hbm>> -> memref<56x64x384xf32, #tpu.memory_space<hbm>>
    %dma_start3A_820 = arith.constant 0 : i32
    %dma_start3A_821 = arith.constant 0 : i32
    %dma_start3A_822 = arith.constant 0 : i32
    %dma_start3A_823 = tpu.memref_slice %arg5[%dma_start3A_812, %dma_start3A_820, %dma_start3A_821, %dma_start3A_822] : memref<4x56x64x384xf32, #tpu.memory_space<vmem>> -> memref<1x56x64x384xf32, #tpu.memory_space<vmem>>
    %dma_start3A_824 = tpu.memref_squeeze %dma_start3A_823 : memref<1x56x64x384xf32, #tpu.memory_space<vmem>> -> memref<56x64x384xf32, #tpu.memory_space<vmem>>
    tpu.enqueue_dma source(%dma_start3A_824 : memref<56x64x384xf32, #tpu.memory_space<vmem>>) target(%dma_start3A_819 : memref<56x64x384xf32, #tpu.memory_space<hbm>>) target_semaphore(%dma_start3A_815 : memref<!tpu.dma_semaphore, #tpu.memory_space<semaphore_mem>>) {priority = 1 : i32}
    %dma_wait3A_825 = arith.constant 0 : i32
    %dma_wait3A_826 = arith.constant 0 : i32
    %dma_wait3A_827 = tpu.memref_slice %arg6[%dma_wait3A_826] : memref<4x!tpu.dma_semaphore, #tpu.memory_space<semaphore_mem>> -> memref<1x!tpu.dma_semaphore, #tpu.memory_space<semaphore_mem>>
    %dma_wait3A_828 = tpu.memref_squeeze %dma_wait3A_827 : memref<1x!tpu.dma_semaphore, #tpu.memory_space<semaphore_mem>> -> memref<!tpu.dma_semaphore, #tpu.memory_space<semaphore_mem>>
    %dma_wait3A_829 = arith.constant 0 : i32
    %dma_wait3A_830 = arith.constant 0 : i32
    %dma_wait3A_831 = arith.constant 0 : i32
    %dma_wait3A_832 = tpu.memref_slice %arg4[%dma_wait3A_825, %dma_wait3A_829, %dma_wait3A_830, %dma_wait3A_831] : memref<4x56x64x384xf32, #tpu.memory_space<vmem>> -> memref<1x56x64x384xf32, #tpu.memory_space<vmem>>
    %dma_wait3A_833 = tpu.memref_squeeze %dma_wait3A_832 : memref<1x56x64x384xf32, #tpu.memory_space<vmem>> -> memref<56x64x384xf32, #tpu.memory_space<vmem>>
    %dma_wait3A_834 = arith.constant 672 : i32
    %dma_wait3A_835 = arith.constant 0 : i32
    %dma_wait3A_836 = arith.constant 0 : i32
    %dma_wait3A_837 = tpu.memref_slice %arg0[%dma_wait3A_834, %dma_wait3A_835, %dma_wait3A_836] : memref<784x64x384xf32, #tpu.memory_space<hbm>> -> memref<56x64x384xf32, #tpu.memory_space<hbm>>
    tpu.wait_dma2 semaphore(%dma_wait3A_828 : memref<!tpu.dma_semaphore, #tpu.memory_space<semaphore_mem>>) src(%dma_wait3A_837 : memref<56x64x384xf32, #tpu.memory_space<hbm>>) dst(%dma_wait3A_833 : memref<56x64x384xf32, #tpu.memory_space<vmem>>)
    %dma_wait3A_838 = arith.constant 0 : i32
    %dma_wait3A_839 = arith.constant 0 : i32
    %dma_wait3A_840 = tpu.memref_slice %arg7[%dma_wait3A_839] : memref<4x!tpu.dma_semaphore, #tpu.memory_space<semaphore_mem>> -> memref<1x!tpu.dma_semaphore, #tpu.memory_space<semaphore_mem>>
    %dma_wait3A_841 = tpu.memref_squeeze %dma_wait3A_840 : memref<1x!tpu.dma_semaphore, #tpu.memory_space<semaphore_mem>> -> memref<!tpu.dma_semaphore, #tpu.memory_space<semaphore_mem>>
    %dma_wait3A_842 = arith.constant 0 : i32
    %dma_wait3A_843 = arith.constant 0 : i32
    %dma_wait3A_844 = arith.constant 0 : i32
    %dma_wait3A_845 = tpu.memref_slice %arg3[%dma_wait3A_842, %dma_wait3A_843, %dma_wait3A_844] : memref<784x64x384xf32, #tpu.memory_space<hbm>> -> memref<56x64x384xf32, #tpu.memory_space<hbm>>
    %dma_wait3A_846 = arith.constant 0 : i32
    %dma_wait3A_847 = arith.constant 0 : i32
    %dma_wait3A_848 = arith.constant 0 : i32
    %dma_wait3A_849 = tpu.memref_slice %arg5[%dma_wait3A_838, %dma_wait3A_846, %dma_wait3A_847, %dma_wait3A_848] : memref<4x56x64x384xf32, #tpu.memory_space<vmem>> -> memref<1x56x64x384xf32, #tpu.memory_space<vmem>>
    %dma_wait3A_850 = tpu.memref_squeeze %dma_wait3A_849 : memref<1x56x64x384xf32, #tpu.memory_space<vmem>> -> memref<56x64x384xf32, #tpu.memory_space<vmem>>
    tpu.wait_dma2 semaphore(%dma_wait3A_841 : memref<!tpu.dma_semaphore, #tpu.memory_space<semaphore_mem>>) src(%dma_wait3A_850 : memref<56x64x384xf32, #tpu.memory_space<vmem>>) dst(%dma_wait3A_845 : memref<56x64x384xf32, #tpu.memory_space<hbm>>)
    %get3A_851 = arith.constant 0 : index
    %get3A_852 = arith.constant 0 : index
    %get3A_853 = arith.constant 0 : index
    %get3A_854 = arith.constant 0 : index
    %get3A_855 = vector.load %arg4[%get3A_851, %get3A_852, %get3A_853, %get3A_854] : memref<4x56x64x384xf32, #tpu.memory_space<vmem>>, vector<1x56x64x384xf32>
    %get3A_856 = vector.shape_cast %get3A_855 : vector<1x56x64x384xf32> to vector<56x64x384xf32>
    %broadcast_in_dim3A_857 = vector.shape_cast %get3A_1 : vector<64x384xf32> to vector<1x64x384xf32>
    %mul3A_858 = vector.broadcast %broadcast_in_dim3A_857 : vector<1x64x384xf32> to vector<56x64x384xf32>
    %mul3A_859 = arith.mulf %get3A_856, %mul3A_858 : vector<56x64x384xf32>
    %broadcast_in_dim3A_860 = vector.shape_cast %get3A_4 : vector<64x384xf32> to vector<1x64x384xf32>
    %add3A_861 = vector.broadcast %broadcast_in_dim3A_860 : vector<1x64x384xf32> to vector<56x64x384xf32>
    %add3A_862 = arith.addf %mul3A_859, %add3A_861 : vector<56x64x384xf32>
    %swap3A_863 = arith.constant 0 : index
    %swap3A_864 = arith.constant 0 : index
    %swap3A_865 = arith.constant 0 : index
    %swap3A_866 = arith.constant 0 : index
    %swap3A_867 = vector.load %arg5[%swap3A_863, %swap3A_864, %swap3A_865, %swap3A_866] : memref<4x56x64x384xf32, #tpu.memory_space<vmem>>, vector<1x56x64x384xf32>
    %swap3A_868 = vector.shape_cast %swap3A_867 : vector<1x56x64x384xf32> to vector<56x64x384xf32>
    %swap3A_869 = vector.shape_cast %add3A_862 : vector<56x64x384xf32> to vector<1x56x64x384xf32>
    tpu.vector_store %arg5[%swap3A_863, %swap3A_864, %swap3A_865, %swap3A_866], %swap3A_869 {strides = array<i32>} : memref<4x56x64x384xf32, #tpu.memory_space<vmem>>, vector<1x56x64x384xf32>,
    %dma_start3A_870 = arith.constant 0 : i32
    %dma_start3A_871 = arith.constant 0 : i32
    %dma_start3A_872 = tpu.memref_slice %arg7[%dma_start3A_871] : memref<4x!tpu.dma_semaphore, #tpu.memory_space<semaphore_mem>> -> memref<1x!tpu.dma_semaphore, #tpu.memory_space<semaphore_mem>>
    %dma_start3A_873 = tpu.memref_squeeze %dma_start3A_872 : memref<1x!tpu.dma_semaphore, #tpu.memory_space<semaphore_mem>> -> memref<!tpu.dma_semaphore, #tpu.memory_space<semaphore_mem>>
    %dma_start3A_874 = arith.constant 672 : i32
    %dma_start3A_875 = arith.constant 0 : i32
    %dma_start3A_876 = arith.constant 0 : i32
    %dma_start3A_877 = tpu.memref_slice %arg3[%dma_start3A_874, %dma_start3A_875, %dma_start3A_876] : memref<784x64x384xf32, #tpu.memory_space<hbm>> -> memref<56x64x384xf32, #tpu.memory_space<hbm>>
    %dma_start3A_878 = arith.constant 0 : i32
    %dma_start3A_879 = arith.constant 0 : i32
    %dma_start3A_880 = arith.constant 0 : i32
    %dma_start3A_881 = tpu.memref_slice %arg5[%dma_start3A_870, %dma_start3A_878, %dma_start3A_879, %dma_start3A_880] : memref<4x56x64x384xf32, #tpu.memory_space<vmem>> -> memref<1x56x64x384xf32, #tpu.memory_space<vmem>>
    %dma_start3A_882 = tpu.memref_squeeze %dma_start3A_881 : memref<1x56x64x384xf32, #tpu.memory_space<vmem>> -> memref<56x64x384xf32, #tpu.memory_space<vmem>>
    tpu.enqueue_dma source(%dma_start3A_882 : memref<56x64x384xf32, #tpu.memory_space<vmem>>) target(%dma_start3A_877 : memref<56x64x384xf32, #tpu.memory_space<hbm>>) target_semaphore(%dma_start3A_873 : memref<!tpu.dma_semaphore, #tpu.memory_space<semaphore_mem>>) {priority = 1 : i32}
    %dma_wait3A_883 = arith.constant 1 : i32
    %dma_wait3A_884 = arith.constant 1 : i32
    %dma_wait3A_885 = tpu.memref_slice %arg6[%dma_wait3A_884] : memref<4x!tpu.dma_semaphore, #tpu.memory_space<semaphore_mem>> -> memref<1x!tpu.dma_semaphore, #tpu.memory_space<semaphore_mem>>
    %dma_wait3A_886 = tpu.memref_squeeze %dma_wait3A_885 : memref<1x!tpu.dma_semaphore, #tpu.memory_space<semaphore_mem>> -> memref<!tpu.dma_semaphore, #tpu.memory_space<semaphore_mem>>
    %dma_wait3A_887 = arith.constant 0 : i32
    %dma_wait3A_888 = arith.constant 0 : i32
    %dma_wait3A_889 = arith.constant 0 : i32
    %dma_wait3A_890 = tpu.memref_slice %arg4[%dma_wait3A_883, %dma_wait3A_887, %dma_wait3A_888, %dma_wait3A_889] : memref<4x56x64x384xf32, #tpu.memory_space<vmem>> -> memref<1x56x64x384xf32, #tpu.memory_space<vmem>>
    %dma_wait3A_891 = tpu.memref_squeeze %dma_wait3A_890 : memref<1x56x64x384xf32, #tpu.memory_space<vmem>> -> memref<56x64x384xf32, #tpu.memory_space<vmem>>
    %dma_wait3A_892 = arith.constant 728 : i32
    %dma_wait3A_893 = arith.constant 0 : i32
    %dma_wait3A_894 = arith.constant 0 : i32
    %dma_wait3A_895 = tpu.memref_slice %arg0[%dma_wait3A_892, %dma_wait3A_893, %dma_wait3A_894] : memref<784x64x384xf32, #tpu.memory_space<hbm>> -> memref<56x64x384xf32, #tpu.memory_space<hbm>>
    tpu.wait_dma2 semaphore(%dma_wait3A_886 : memref<!tpu.dma_semaphore, #tpu.memory_space<semaphore_mem>>) src(%dma_wait3A_895 : memref<56x64x384xf32, #tpu.memory_space<hbm>>) dst(%dma_wait3A_891 : memref<56x64x384xf32, #tpu.memory_space<vmem>>)
    %dma_wait3A_896 = arith.constant 1 : i32
    %dma_wait3A_897 = arith.constant 1 : i32
    %dma_wait3A_898 = tpu.memref_slice %arg7[%dma_wait3A_897] : memref<4x!tpu.dma_semaphore, #tpu.memory_space<semaphore_mem>> -> memref<1x!tpu.dma_semaphore, #tpu.memory_space<semaphore_mem>>
    %dma_wait3A_899 = tpu.memref_squeeze %dma_wait3A_898 : memref<1x!tpu.dma_semaphore, #tpu.memory_space<semaphore_mem>> -> memref<!tpu.dma_semaphore, #tpu.memory_space<semaphore_mem>>
    %dma_wait3A_900 = arith.constant 0 : i32
    %dma_wait3A_901 = arith.constant 0 : i32
    %dma_wait3A_902 = arith.constant 0 : i32
    %dma_wait3A_903 = tpu.memref_slice %arg3[%dma_wait3A_900, %dma_wait3A_901, %dma_wait3A_902] : memref<784x64x384xf32, #tpu.memory_space<hbm>> -> memref<56x64x384xf32, #tpu.memory_space<hbm>>
    %dma_wait3A_904 = arith.constant 0 : i32
    %dma_wait3A_905 = arith.constant 0 : i32
    %dma_wait3A_906 = arith.constant 0 : i32
    %dma_wait3A_907 = tpu.memref_slice %arg5[%dma_wait3A_896, %dma_wait3A_904, %dma_wait3A_905, %dma_wait3A_906] : memref<4x56x64x384xf32, #tpu.memory_space<vmem>> -> memref<1x56x64x384xf32, #tpu.memory_space<vmem>>
    %dma_wait3A_908 = tpu.memref_squeeze %dma_wait3A_907 : memref<1x56x64x384xf32, #tpu.memory_space<vmem>> -> memref<56x64x384xf32, #tpu.memory_space<vmem>>
    tpu.wait_dma2 semaphore(%dma_wait3A_899 : memref<!tpu.dma_semaphore, #tpu.memory_space<semaphore_mem>>) src(%dma_wait3A_908 : memref<56x64x384xf32, #tpu.memory_space<vmem>>) dst(%dma_wait3A_903 : memref<56x64x384xf32, #tpu.memory_space<hbm>>)
    %get3A_909 = arith.constant 1 : index
    %get3A_910 = arith.constant 0 : index
    %get3A_911 = arith.constant 0 : index
    %get3A_912 = arith.constant 0 : index
    %get3A_913 = vector.load %arg4[%get3A_909, %get3A_910, %get3A_911, %get3A_912] : memref<4x56x64x384xf32, #tpu.memory_space<vmem>>, vector<1x56x64x384xf32>
    %get3A_914 = vector.shape_cast %get3A_913 : vector<1x56x64x384xf32> to vector<56x64x384xf32>
    %broadcast_in_dim3A_915 = vector.shape_cast %get3A_1 : vector<64x384xf32> to vector<1x64x384xf32>
    %mul3A_916 = vector.broadcast %broadcast_in_dim3A_915 : vector<1x64x384xf32> to vector<56x64x384xf32>
    %mul3A_917 = arith.mulf %get3A_914, %mul3A_916 : vector<56x64x384xf32>
    %broadcast_in_dim3A_918 = vector.shape_cast %get3A_4 : vector<64x384xf32> to vector<1x64x384xf32>
    %add3A_919 = vector.broadcast %broadcast_in_dim3A_918 : vector<1x64x384xf32> to vector<56x64x384xf32>
    %add3A_920 = arith.addf %mul3A_917, %add3A_919 : vector<56x64x384xf32>
    %swap3A_921 = arith.constant 1 : index
    %swap3A_922 = arith.constant 0 : index
    %swap3A_923 = arith.constant 0 : index
    %swap3A_924 = arith.constant 0 : index
    %swap3A_925 = vector.load %arg5[%swap3A_921, %swap3A_922, %swap3A_923, %swap3A_924] : memref<4x56x64x384xf32, #tpu.memory_space<vmem>>, vector<1x56x64x384xf32>
    %swap3A_926 = vector.shape_cast %swap3A_925 : vector<1x56x64x384xf32> to vector<56x64x384xf32>
    %swap3A_927 = vector.shape_cast %add3A_920 : vector<56x64x384xf32> to vector<1x56x64x384xf32>
    tpu.vector_store %arg5[%swap3A_921, %swap3A_922, %swap3A_923, %swap3A_924], %swap3A_927 {strides = array<i32>} : memref<4x56x64x384xf32, #tpu.memory_space<vmem>>, vector<1x56x64x384xf32>,
    %dma_start3A_928 = arith.constant 1 : i32
    %dma_start3A_929 = arith.constant 1 : i32
    %dma_start3A_930 = tpu.memref_slice %arg7[%dma_start3A_929] : memref<4x!tpu.dma_semaphore, #tpu.memory_space<semaphore_mem>> -> memref<1x!tpu.dma_semaphore, #tpu.memory_space<semaphore_mem>>
    %dma_start3A_931 = tpu.memref_squeeze %dma_start3A_930 : memref<1x!tpu.dma_semaphore, #tpu.memory_space<semaphore_mem>> -> memref<!tpu.dma_semaphore, #tpu.memory_space<semaphore_mem>>
    %dma_start3A_932 = arith.constant 728 : i32
    %dma_start3A_933 = arith.constant 0 : i32
    %dma_start3A_934 = arith.constant 0 : i32
    %dma_start3A_935 = tpu.memref_slice %arg3[%dma_start3A_932, %dma_start3A_933, %dma_start3A_934] : memref<784x64x384xf32, #tpu.memory_space<hbm>> -> memref<56x64x384xf32, #tpu.memory_space<hbm>>
    %dma_start3A_936 = arith.constant 0 : i32
    %dma_start3A_937 = arith.constant 0 : i32
    %dma_start3A_938 = arith.constant 0 : i32
    %dma_start3A_939 = tpu.memref_slice %arg5[%dma_start3A_928, %dma_start3A_936, %dma_start3A_937, %dma_start3A_938] : memref<4x56x64x384xf32, #tpu.memory_space<vmem>> -> memref<1x56x64x384xf32, #tpu.memory_space<vmem>>
    %dma_start3A_940 = tpu.memref_squeeze %dma_start3A_939 : memref<1x56x64x384xf32, #tpu.memory_space<vmem>> -> memref<56x64x384xf32, #tpu.memory_space<vmem>>
    tpu.enqueue_dma source(%dma_start3A_940 : memref<56x64x384xf32, #tpu.memory_space<vmem>>) target(%dma_start3A_935 : memref<56x64x384xf32, #tpu.memory_space<hbm>>) target_semaphore(%dma_start3A_931 : memref<!tpu.dma_semaphore, #tpu.memory_space<semaphore_mem>>) {priority = 1 : i32}
    %dma_wait3A_941 = arith.constant 0 : i32
    %dma_wait3A_942 = arith.constant 0 : i32
    %dma_wait3A_943 = tpu.memref_slice %arg7[%dma_wait3A_942] : memref<4x!tpu.dma_semaphore, #tpu.memory_space<semaphore_mem>> -> memref<1x!tpu.dma_semaphore, #tpu.memory_space<semaphore_mem>>
    %dma_wait3A_944 = tpu.memref_squeeze %dma_wait3A_943 : memref<1x!tpu.dma_semaphore, #tpu.memory_space<semaphore_mem>> -> memref<!tpu.dma_semaphore, #tpu.memory_space<semaphore_mem>>
    %dma_wait3A_945 = arith.constant 0 : i32
    %dma_wait3A_946 = arith.constant 0 : i32
    %dma_wait3A_947 = arith.constant 0 : i32
    %dma_wait3A_948 = tpu.memref_slice %arg3[%dma_wait3A_945, %dma_wait3A_946, %dma_wait3A_947] : memref<784x64x384xf32, #tpu.memory_space<hbm>> -> memref<56x64x384xf32, #tpu.memory_space<hbm>>
    %dma_wait3A_949 = arith.constant 0 : i32
    %dma_wait3A_950 = arith.constant 0 : i32
    %dma_wait3A_951 = arith.constant 0 : i32
    %dma_wait3A_952 = tpu.memref_slice %arg5[%dma_wait3A_941, %dma_wait3A_949, %dma_wait3A_950, %dma_wait3A_951] : memref<4x56x64x384xf32, #tpu.memory_space<vmem>> -> memref<1x56x64x384xf32, #tpu.memory_space<vmem>>
    %dma_wait3A_953 = tpu.memref_squeeze %dma_wait3A_952 : memref<1x56x64x384xf32, #tpu.memory_space<vmem>> -> memref<56x64x384xf32, #tpu.memory_space<vmem>>
    tpu.wait_dma2 semaphore(%dma_wait3A_944 : memref<!tpu.dma_semaphore, #tpu.memory_space<semaphore_mem>>) src(%dma_wait3A_953 : memref<56x64x384xf32, #tpu.memory_space<vmem>>) dst(%dma_wait3A_948 : memref<56x64x384xf32, #tpu.memory_space<hbm>>)
    %dma_wait3A_954 = arith.constant 1 : i32
    %dma_wait3A_955 = arith.constant 1 : i32
    %dma_wait3A_956 = tpu.memref_slice %arg7[%dma_wait3A_955] : memref<4x!tpu.dma_semaphore, #tpu.memory_space<semaphore_mem>> -> memref<1x!tpu.dma_semaphore, #tpu.memory_space<semaphore_mem>>
    %dma_wait3A_957 = tpu.memref_squeeze %dma_wait3A_956 : memref<1x!tpu.dma_semaphore, #tpu.memory_space<semaphore_mem>> -> memref<!tpu.dma_semaphore, #tpu.memory_space<semaphore_mem>>
    %dma_wait3A_958 = arith.constant 0 : i32
    %dma_wait3A_959 = arith.constant 0 : i32
    %dma_wait3A_960 = arith.constant 0 : i32
    %dma_wait3A_961 = tpu.memref_slice %arg3[%dma_wait3A_958, %dma_wait3A_959, %dma_wait3A_960] : memref<784x64x384xf32, #tpu.memory_space<hbm>> -> memref<56x64x384xf32, #tpu.memory_space<hbm>>
    %dma_wait3A_962 = arith.constant 0 : i32
    %dma_wait3A_963 = arith.constant 0 : i32
    %dma_wait3A_964 = arith.constant 0 : i32
    %dma_wait3A_965 = tpu.memref_slice %arg5[%dma_wait3A_954, %dma_wait3A_962, %dma_wait3A_963, %dma_wait3A_964] : memref<4x56x64x384xf32, #tpu.memory_space<vmem>> -> memref<1x56x64x384xf32, #tpu.memory_space<vmem>>
    %dma_wait3A_966 = tpu.memref_squeeze %dma_wait3A_965 : memref<1x56x64x384xf32, #tpu.memory_space<vmem>> -> memref<56x64x384xf32, #tpu.memory_space<vmem>>
    tpu.wait_dma2 semaphore(%dma_wait3A_957 : memref<!tpu.dma_semaphore, #tpu.memory_space<semaphore_mem>>) src(%dma_wait3A_966 : memref<56x64x384xf32, #tpu.memory_space<vmem>>) dst(%dma_wait3A_961 : memref<56x64x384xf32, #tpu.memory_space<hbm>>)
    %dma_wait3A_967 = arith.constant 2 : i32
    %dma_wait3A_968 = arith.constant 2 : i32
    %dma_wait3A_969 = tpu.memref_slice %arg7[%dma_wait3A_968] : memref<4x!tpu.dma_semaphore, #tpu.memory_space<semaphore_mem>> -> memref<1x!tpu.dma_semaphore, #tpu.memory_space<semaphore_mem>>
    %dma_wait3A_970 = tpu.memref_squeeze %dma_wait3A_969 : memref<1x!tpu.dma_semaphore, #tpu.memory_space<semaphore_mem>> -> memref<!tpu.dma_semaphore, #tpu.memory_space<semaphore_mem>>
    %dma_wait3A_971 = arith.constant 0 : i32
    %dma_wait3A_972 = arith.constant 0 : i32
    %dma_wait3A_973 = arith.constant 0 : i32
    %dma_wait3A_974 = tpu.memref_slice %arg3[%dma_wait3A_971, %dma_wait3A_972, %dma_wait3A_973] : memref<784x64x384xf32, #tpu.memory_space<hbm>> -> memref<56x64x384xf32, #tpu.memory_space<hbm>>
    %dma_wait3A_975 = arith.constant 0 : i32
    %dma_wait3A_976 = arith.constant 0 : i32
    %dma_wait3A_977 = arith.constant 0 : i32
    %dma_wait3A_978 = tpu.memref_slice %arg5[%dma_wait3A_967, %dma_wait3A_975, %dma_wait3A_976, %dma_wait3A_977] : memref<4x56x64x384xf32, #tpu.memory_space<vmem>> -> memref<1x56x64x384xf32, #tpu.memory_space<vmem>>
    %dma_wait3A_979 = tpu.memref_squeeze %dma_wait3A_978 : memref<1x56x64x384xf32, #tpu.memory_space<vmem>> -> memref<56x64x384xf32, #tpu.memory_space<vmem>>
    tpu.wait_dma2 semaphore(%dma_wait3A_970 : memref<!tpu.dma_semaphore, #tpu.memory_space<semaphore_mem>>) src(%dma_wait3A_979 : memref<56x64x384xf32, #tpu.memory_space<vmem>>) dst(%dma_wait3A_974 : memref<56x64x384xf32, #tpu.memory_space<hbm>>)
    %dma_wait3A_980 = arith.constant 3 : i32
    %dma_wait3A_981 = arith.constant 3 : i32
    %dma_wait3A_982 = tpu.memref_slice %arg7[%dma_wait3A_981] : memref<4x!tpu.dma_semaphore, #tpu.memory_space<semaphore_mem>> -> memref<1x!tpu.dma_semaphore, #tpu.memory_space<semaphore_mem>>
    %dma_wait3A_983 = tpu.memref_squeeze %dma_wait3A_982 : memref<1x!tpu.dma_semaphore, #tpu.memory_space<semaphore_mem>> -> memref<!tpu.dma_semaphore, #tpu.memory_space<semaphore_mem>>
    %dma_wait3A_984 = arith.constant 0 : i32
    %dma_wait3A_985 = arith.constant 0 : i32
    %dma_wait3A_986 = arith.constant 0 : i32
    %dma_wait3A_987 = tpu.memref_slice %arg3[%dma_wait3A_984, %dma_wait3A_985, %dma_wait3A_986] : memref<784x64x384xf32, #tpu.memory_space<hbm>> -> memref<56x64x384xf32, #tpu.memory_space<hbm>>
    %dma_wait3A_988 = arith.constant 0 : i32
    %dma_wait3A_989 = arith.constant 0 : i32
    %dma_wait3A_990 = arith.constant 0 : i32
    %dma_wait3A_991 = tpu.memref_slice %arg5[%dma_wait3A_980, %dma_wait3A_988, %dma_wait3A_989, %dma_wait3A_990] : memref<4x56x64x384xf32, #tpu.memory_space<vmem>> -> memref<1x56x64x384xf32, #tpu.memory_space<vmem>>
    %dma_wait3A_992 = tpu.memref_squeeze %dma_wait3A_991 : memref<1x56x64x384xf32, #tpu.memory_space<vmem>> -> memref<56x64x384xf32, #tpu.memory_space<vmem>>
    tpu.wait_dma2 semaphore(%dma_wait3A_983 : memref<!tpu.dma_semaphore, #tpu.memory_space<semaphore_mem>>) src(%dma_wait3A_992 : memref<56x64x384xf32, #tpu.memory_space<vmem>>) dst(%dma_wait3A_987 : memref<56x64x384xf32, #tpu.memory_space<hbm>>)
    return
  }
}

</mosaic_0001>

<sc_bundles>
// kernel: kernel.4.cloned.1.call-start
scs
__scs_entry_jumppad:
0x0: {  	(pc) =	sbr.rel $0x88, $3  }
0x1: {  	(tag) =	ssettag $0x0;
	lr =	simm.s32 $0x1  }
0x2: {  	[smem:$0x3F9D] =	sst lr;
	_ =	strace $0xD0000000  }
0x3: {  	_ = 	snop  }
0x4: {  	_ = 	snop  }
0x5: {  	_ = 	snop  }
0x6: {  	_ = 	snop  }
0x7: {  	_ = 	snop  }
__scs_overlays_trampoline_lowered:
0x8: {  	[smem:$0x3FAC] =	sst s0  }
0x9: {  	[smem:$0x3FAD] =	sst s1  }
0xa: {  	[smem:$0x3FAE] =	sst s2  }
0xb: {  	[smem:$0x3FAF] =	sst s3  }
0xc: {  	[smem:$0x3FB0] =	sst s4  }
0xd: {  	[smem:$0x3FB1] =	sst s5  }
0xe: {  	[smem:$0x3FB2] =	sst s6  }
0xf: {  	[smem:$0x3FB3] =	sst s7  }
0x10: {  	[smem:$0x3FB4] =	sst s8  }
0x11: {  	[smem:$0x3FB5] =	sst s9;
	s0 =	simm.s32 @!p0 $0x0  }
0x12: {  	s1 =	sld [smem:$0x3F9B];
	s0 =	simm.s32 @p0 $0x1  }
0x13: {  	[smem:$0x3FB6] =	sst s0;
	s0 =	simm.s32 @!p1 $0x0  }
0x14: {  	s2 =	sld [smem:$0x3F9A];
	s0 =	simm.s32 @p1 $0x1  }
0x15: {  	[smem:$0x3FB7] =	sst s0;
	s0 =	simm.s32 @!p2 $0x0  }
0x16: {  	s3 =	sld [smem:$0x3FDB];
	s0 =	simm.s32 @p2 $0x1  }
0x17: {  	s4 =	simm.s32 $0x1BF5;
	[smem:$0x3FB9] =	sst s0  }
0x18: {  	s0 =	sld [smem:$0x3F9C];
	_ =	swait.ge [sflag:s4], $0x0  }
0x19: {  	s7 =	sld [smem:$0x3F9D]  }
0x1a: {  	s8 =	sadd.s32 $0xFFFFE003, lr  }
0x1b: {  	s9 =	sadd.s32 $0xFFFFFEF7, lr;
	s5 =	simm.s32 $0xFFFFFFFF;
	p2 =	slt.u32 s8, $0xFFFFF086  }
0x1c: {  	p1 =	slt.u32 s9, $0xF7A;
	s5 =	simm.s32 @!p2 $0x0  }
0x1d: {  	s5 =	simm.s32 @p1 $0x1;
	p0 =	seq.s32 s7, s2  }
0x1e: {  	s7 =	smul.u32 @!p0 $0xF7A, s2;
	p2 =	seq.s32 @!p0 s5, $0x0  }
0x1f: {  	s9 =	smul.u32 $0xF7A, s1;
	s8 =	simm.s32 @!p0 $0x1BF5;
	p2 =	por !p2, p0  }
0x20: {  	[sflag:s8] =	ssyncset.s32 @!p0 $0xFFFFF086;
	s6 =	sadd.s32 @!p0 s3, s7;
	s7 =	simm.s32 @!p0 $0x108  }
0x21: {  	s3 =	sadd.s32 s3, s9;
	s6 =	sadd.s32 @!p0 $0x88, s6;
	s7 =	simm.s32 @p2 $0x1082  }
0x22: {  	[simem:s7], [sflag:s8] =	dma.local @!p0 [hbm:s6], $0xF7A  }
0x23: {  	s9 =	sor.u32 $0xD0000000, s2;
	s6 =	simm.s32 $0x108;
	_ =	swait.ge @!p0 [sflag:s8], $0x0  }
0x24: {  	s3 =	sadd.s32 $0x88, s3;
	s6 =	simm.s32 @!p1 $0x1082;
	[sflag:s4] =	ssyncset.s32 $0xFFFFF086  }
0x25: {  	[simem:s6], [sflag:s4] =	dma.local [hbm:s3], $0xF7A  }
0x26: {  	[smem:$0x3F9D] =	sst s1;
	(tag) =	ssettag s2;
	_ =	strace s9  }
0x27: {  	s1 =	sld [smem:$0x3FAD]  }
0x28: {  	s2 =	sld [smem:$0x3FAE]  }
0x29: {  	s4 =	sld [smem:$0x3FB0]  }
0x2a: {  	p0 =	seq.s32 s5, $0x0;
	s5 =	sld [smem:$0x3FB1]  }
0x2b: {  	s6 =	sld [smem:$0x3FB2]  }
0x2c: {  	s7 =	sld [smem:$0x3FB3]  }
0x2d: {  	s3 =	simm.s32 $0x108;
	s8 =	sld [smem:$0x3FB4]  }
0x2e: {  	s3 =	simm.s32 @!p0 $0x1082;
	s9 =	sld [smem:$0x3FB5]  }
0x2f: {  	lr =	sadd.s32 s0, s3;
	s0 =	sld [smem:$0x3FAC]  }
0x30: {  	s3 =	sld [smem:$0x3FAF]  }
0x31: {  	[smem:$0x3FB8] =	sst s10  }
0x32: {  	s10 =	sld [smem:$0x3FB6];
	_ =	sdelay $0x3  }
0x33: {  	p0 =	seq.s32 s10, $0x1;
	s10 =	sld [smem:$0x3FB8];
	_ =	sdelay $0x3  }
0x34: {  	[smem:$0x3FB8] =	sst s10  }
0x35: {  	s10 =	sld [smem:$0x3FB7];
	_ =	sdelay $0x3  }
0x36: {  	p1 =	seq.s32 s10, $0x1;
	s10 =	sld [smem:$0x3FB8];
	_ =	sdelay $0x3  }
0x37: {  	[smem:$0x3FB8] =	sst s10  }
0x38: {  	s10 =	sld [smem:$0x3FB9]  }
0x39: {  	_ = 	snop;
	(pc) =	sbr.ind lr, $3  }
0x3a: {  	_ = 	snop  }
0x3b: {  	_ = 	snop  }
0x3c: {  	p2 =	seq.s32 s10, $0x1;
	s10 =	sld [smem:$0x3FB8]  }
0x3d: {  	_ =	shalt  }
0x3e: {  	_ =	shalt  }
0x3f: {  	_ =	shalt  }
0x40: {  	_ =	shalt  }
0x41: {  	_ =	shalt  }
0x42: {  	_ =	shalt  }
0x43: {  	_ =	shalt  }
0x44: {  	_ =	shalt  }
0x45: {  	_ =	shalt  }
0x46: {  	_ =	shalt  }
0x47: {  	_ =	shalt  }
0x48: {  	_ =	shalt  }
0x49: {  	_ =	shalt  }
0x4a: {  	_ =	shalt  }
0x4b: {  	_ =	shalt  }
0x4c: {  	_ =	shalt  }
0x4d: {  	_ =	shalt  }
0x4e: {  	_ =	shalt  }
0x4f: {  	_ =	shalt  }
0x50: {  	_ =	shalt  }
0x51: {  	_ =	shalt  }
0x52: {  	_ =	shalt  }
0x53: {  	_ =	shalt  }
0x54: {  	_ =	shalt  }
0x55: {  	_ =	shalt  }
0x56: {  	_ =	shalt  }
0x57: {  	_ =	shalt  }
0x58: {  	_ =	shalt  }
0x59: {  	_ =	shalt  }
0x5a: {  	_ =	shalt  }
0x5b: {  	_ =	shalt  }
0x5c: {  	_ =	shalt  }
0x5d: {  	_ =	shalt  }
0x5e: {  	_ =	shalt  }
0x5f: {  	_ =	shalt  }
0x60: {  	_ =	shalt  }
0x61: {  	_ =	shalt  }
0x62: {  	_ =	shalt  }
0x63: {  	_ =	shalt  }
0x64: {  	_ =	shalt  }
0x65: {  	_ =	shalt  }
0x66: {  	_ =	shalt  }
0x67: {  	_ =	shalt  }
0x68: {  	_ =	shalt  }
0x69: {  	_ =	shalt  }
0x6a: {  	_ =	shalt  }
0x6b: {  	_ =	shalt  }
0x6c: {  	_ =	shalt  }
0x6d: {  	_ =	shalt  }
0x6e: {  	_ =	shalt  }
0x6f: {  	_ =	shalt  }
0x70: {  	_ =	shalt  }
0x71: {  	_ =	shalt  }
0x72: {  	_ =	shalt  }
0x73: {  	_ =	shalt  }
0x74: {  	_ =	shalt  }
0x75: {  	_ =	shalt  }
0x76: {  	_ =	shalt  }
0x77: {  	_ =	shalt  }
0x78: {  	_ =	shalt  }
0x79: {  	_ =	shalt  }
0x7a: {  	_ =	shalt  }
0x7b: {  	_ =	shalt  }
0x7c: {  	_ =	shalt  }
0x7d: {  	_ =	shalt  }
0x7e: {  	_ =	shalt  }
0x7f: {  	_ =	shalt  }
0x80: {  	_ =	shalt  }
0x81: {  	_ =	shalt  }
0x82: {  	_ =	shalt  }
0x83: {  	_ =	shalt  }
0x84: {  	_ =	shalt  }
0x85: {  	_ =	shalt  }
0x86: {  	_ =	shalt  }
0x87: {  	_ =	shalt  }
.Lfunc_end0:
.L_simem_size_0:
called_computation_lowered:
.L_overlay_start_0:
0x88: {  	s2 =	sld [smem:$0x3FD9]  }
0x89: {  	s3 =	sld [smem:$0x3FFE];
	_ =	sdelay $0x1  }
0x8a: {  	s1 =	srdreg.scid  }
0x8b: {  	s0 =	sand.u32 $0x1, s1  }
0x8c: {  	s17 =	sshll.u32 s0, $0xA;
	s2 =	sadd.s32 s3, s2  }
0x8d: {  	s2 =	sadd.s32 s2, s17  }
0x8e: {  	[smem:$0x3FC4] =	sst s2  }
0x8f: {  	_ = 	snop  }
0x90: {  	s2 =	sld [smem:$0x3FC8]  }
0x91: {  	s18 =	sld [smem:$0x3FC7]  }
0x92: {  	s4 =	sld [smem:$0x3FC6];
	(tm) =	ssettm $0x1  }
0x93: {  	s5 =	sld [smem:$0x3FFB];
	_ =	sdelay $0x3  }
0x94: {  	_ =	strace s5  }
0x95: {  	s5 =	sld [smem:$0x3FFC];
	_ =	sdelay $0x3  }
0x96: {  	_ =	strace s5  }
0x97: {  	s5 =	sld [smem:$0x3FFD];
	_ =	sdelay $0x3  }
0x98: {  	_ =	strace s5  }
0x99: {  	_ =	strace $0x8FFFFFFF  }
0x9a: {  	s19 =	sld [smem:$0x3FDB];
	_ =	sdelay $0x1  }
0x9b: {  	s6 =	simm.s32 $_scs_section_size  }
0x9c: {  	s7 =	simm.s32 $_size__tile_overlayer_lowered;
	s8 =	simm.s32 $_tile_overlayer_lowered  }
0x9d: {  	s22 =	simm.s32 $0x1BFF;
	s21 =	sshll.u32 s8, $0x1;
	s5 =	sadd.s32 s6, s19  }
0x9e: {  	s9 =	simm.s32 $0x0;
	s20 =	sshll.u32 s7, $0x1;
	s7 =	sadd.s32 s21, s5  }
0x9f: {  	[timem:s9], [sflag:s22] =	dma.local [hbm:s7], s20  }
0xa0: {  	_ =	swait.ge [sflag:s22], s20  }
0xa1: {  	s6 =	ssub.s32 $0x0, s20;
	[sflag:s22] =	ssyncset.done $0x0  }
0xa2: {  	[sflag:s22] =	ssyncadd.s32 s6;
	_ =	sdelay $0x1  }
0xa3: {  	s23 =	simm.s32 $0x1B8B  }
0xa4: {  	_ =	swait.ge [sflag:s23], $0x1  }
0xa5: {  	[sflag:s23] =	ssyncset.done $0x0  }
0xa6: {  	s25 =	simm.s32 $0x1B8E;
	s24 =	sld [smem:$0x3FFE];
	[sflag:s23] =	ssyncadd.s32 $0xFFFFFFFF  }
0xa7: {  	s26 =	simm.s32 $execute0_lowered;
	[smem:$0x3FD2] =	sst s25  }
0xa8: {  	s7 =	sshll.u32 s26, $0x1;
	_ =	strace $0x80000046;
	[dreg:$0x1] =	wrdreg $0xFFFFFFFF  }
0xa9: {  	s28 =	simm.s32 $_size_execute0_lowered;
	s5 =	sadd.s32 s5, s7;
	[dreg:$0x0] =	wrdreg $0x0  }
0xaa: {  	s7 =	sshll.u32 s28, $0x1;
	[dreg:$0x2] =	wrdreg s5  }
0xab: {  	[dreg:$0x3] =	wrdreg s7  }
0xac: {  	[dreg:$0x4] =	wrdreg $0xC0  }
0xad: {  	_ =	task [dreg:s9], $0x5FFFF  }
0xae: {  	[dreg:$0x1] =	wrdreg $0xFFFFFFFF  }
0xaf: {  	[dreg:$0x0] =	wrdreg $0x60  }
0xb0: {  	[dreg:$0x2] =	wrdreg s2  }
0xb1: {  	[dreg:$0x3] =	wrdreg s18  }
0xb2: {  	[dreg:$0x4] =	wrdreg s4  }
0xb3: {  	[dreg:$0x5] =	wrdreg s24  }
0xb4: {  	[dreg:$0x6] =	wrdreg $0x9  }
0xb5: {  	_ =	task.clear_ibuf [dreg:s9], $0x7FFFF;
	_ =	strace $0x90000046  }
0xb6: {  	s29 =	simm.s32 $0x9;
	_ =	strace $0x80000048  }
0xb7: {  	_ =	swait.ge [sflag:s29], $0x1  }
0xb8: {  	[sflag:s29] =	ssyncadd.s32 $0xFFFFFFFF  }
0xb9: {  	_ =	strace $0x90000048  }
0xba: {  	_ =	sfence  }
0xbb: {  	s30 =	sld [smem:$0x0];
	_ =	sdelay $0x2  }
0xbc: {  	s31 =	sshll.u32 s1, $0xD;
	s1 =	sshrl.u32 s1, $0x2  }
0xbd: {  	s3 =	sand.u32 $0x4000, s31;
	s1 =	sadd.s32 s1, s30  }
0xbe: {  	s0 =	sor.u32 s3, s0;
	s1 =	sshll.u32 s1, $0x11  }
0xbf: {  	s0 =	sor.u32 s1, s0  }
0xc0: {  	s0 =	sadd.s32 $0x8F2B, s0  }
0xc1: {  	[sflag:s0] =	ssyncadd.remote.s32 $0x1  }
0xc2: {  	_ =	sfence.sel $0xFFFF  }
0xc3: {  	[dreg:$0x0] =	wrdreg $0xFFFFFFFF;
	(pc) =	sbr.abs _section_cstart, $3  }
0xc4: {  	[dreg:$0x1] =	wrdreg $0xFFFFFFFF  }
0xc5: {  	_ =	task.clear_ibuf [dreg:s9], $0x2FFFF;
	_ =	strace $0x9FFFFFFF  }
0xc6: {  	(tm) =	ssettm $0x7FFFFFFF  }
0xc7: {  	_ =	shalt  }
tec
execute0_lowered:
.L_overlay_start_1:
0x0: {  	(tag) =	ssettag $0x1  }
0x1: {  	s4 =	rddreg [dreg:$0x0]  }
0x2: {  	s1 =	rddreg [dreg:$0x1]  }
0x3: {  	s0 =	stileid.u32;
	s3 =	rddreg [dreg:$0x2]  }
0x4: {  	s2 =	srdreg.scid;
	s6 =	rddreg [dreg:$0x3];
	s8 =	simm.s32 $0x0  }
0x5: {  	s5 =	sshll.u32 s0, $0x1;
	s7 =	sand.u32 $0x1, s2;
	s2 =	rddreg [dreg:$0x4]  }
0x6: {  	[smem:$0x7FF] =	sst s8;
	s31 =	sand.u32 $0xC, s0;
	s5 =	sand.u32 $0x6, s5  }
0x7: {  	p0 =	sgt.u32 s0, $0x3;
	_ =	strace $0x80000047;
	s5 =	sor.u32 s7, s5  }
0x8: {  	p1 =	sne.s32 s31, $0x4;
	s7 =	ssub.s32 $0x2, s7;
	s9 =	smul.u32 $0x180, s5  }
0x9: {  	s30 =	sshrl.u32 s7, $0x1;
	s4 =	sadd.s32 s4, s5;
	s5 =	sadd.s32 $0x100, s1  }
0xa: {  	vm0 =	vmmov @!p0 $0xff;
	s10 =	ssub.s32 s7, s30;
	s7 =	sadd.s32 $0x100, s3;
	s9 =	sadd.s32 s9, s6  }
0xb: {  	vm1 =	vmmov @!p0 $0xffff;
	vm2 =	vmmov @!p1 $0xff;
	vm3 =	vmmov @!p1 $0xffff;
	s6 =	sadd.s32 $0x800, s9;
	s8 =	sadd.s32 $0x1400, s9;
	s9 =	smax.u32 s10, $0x1  }
.LBB2_1:
0xc: {  	s10 =	simm.s32 @!p0 $0x0;
	s11 =	simm.s32 @!p0 $0x2  }
0xd: {  	[tilespmem:s10], [sflag:$0x2] =	stream.linear.gather @!p0 [hbm4b:s4+s10], $0x8, $0x38;
	[tilespmem:$0xC80] =	vst v63  }
0xe: {  	_ =	swait.ge @!p0 [sflag:s11], $0x8  }
0xf: {  	[sflag:s11] =	ssyncset.done @!p0 $0x0  }
0x10: {  	[sflag:s11] =	ssyncadd.s32 @!p0 $0xFFFFFFF8  }
0x11: {  	v0 =	vld.msk @!p0 [tilespmem:$0x0], $0xff;
	_ =	sdelay $0x4  }
0x12: {  	v1 =	vshrl.u32 @!p0 v0, $0x3  }
0x13: {  	v1 =	vmul.u32 @!p0 $0x18, v1  }
0x14: {  	v2 =	vlaneseq.u32 @!p0;
	v0 =	vand.u32 @!p0 $0x7, v0  }
0x15: {  	v0 =	vor.u32 @!p0 v0, v1;
	v1 =	vand.u32 @!p0 $0x7, v2;
	v2 =	vshrl.u32 @!p0 v2, $0x3  }
0x16: {  	v0 =	vperm.xlane @!p0 v0, v1;
	v1 =	vmul.u32 @!p0 $0x8, v2;
	_ =	sdelay $0x1  }
0x17: {  	v0 =	vadd.s32 @!p0 v1, v0;
	_ =	sdelay $0x3  }
0x18: {  	s12 =	simm.s32 @!p0 $0x80  }
0x19: {  	[tilespmem:s12], [sflag:$0x1] =	stream.indirect_vreg.gather @!p0 [hbm4b:s1+s10], $0x80, v0, vm1, $0xb8;
	[tilespmem:$0xC80] =	vst v63  }
0x1a: {  	s13 =	simm.s32 @!p0 $0x880  }
0x1b: {  	[tilespmem:s13], [sflag:$0x1] =	stream.indirect_vreg.gather @!p0 [hbm4b:s5+s10], $0x80, v0, vm0, $0xb8;
	[tilespmem:$0xC80] =	vst v63  }
0x1c: {  	s13 =	simm.s32 @!p0 $0x1  }
0x1d: {  	_ =	swait.ge @!p0 [sflag:s13], $0xC00  }
0x1e: {  	[sflag:s13] =	ssyncset.done @!p0 $0x0  }
0x1f: {  	[sflag:s13] =	ssyncadd.s32 @!p0 $0xFFFFF400  }
0x20: {  	[hbm4b:s6+s10] =	stream.linear.scatter @!p0 [tilespmem:s12], [sflag:$0x2], $0xC00, $0x38;
	[tilespmem:$0xC80] =	vst v63  }
0x21: {  	_ =	swait.ge @!p0 [sflag:s11], $0xC00  }
0x22: {  	[sflag:s11] =	ssyncset.done @!p0 $0x0  }
0x23: {  	s10 =	simm.s32 @!p1 $0x0;
	[sflag:s11] =	ssyncadd.s32 @!p0 $0xFFFFF400;
	s11 =	simm.s32 @!p1 $0x2  }
0x24: {  	[tilespmem:s10], [sflag:$0x2] =	stream.linear.gather @!p1 [hbm4b:s4+s10], $0x8, $0x38;
	[tilespmem:$0xC80] =	vst v63  }
0x25: {  	_ =	swait.ge @!p1 [sflag:s11], $0x8  }
0x26: {  	[sflag:s11] =	ssyncset.done @!p1 $0x0  }
0x27: {  	[sflag:s11] =	ssyncadd.s32 @!p1 $0xFFFFFFF8  }
0x28: {  	v0 =	vld.msk @!p1 [tilespmem:$0x0], $0xff;
	_ =	sdelay $0x4  }
0x29: {  	v1 =	vshrl.u32 @!p1 v0, $0x3  }
0x2a: {  	v1 =	vmul.u32 @!p1 $0x18, v1  }
0x2b: {  	v2 =	vlaneseq.u32 @!p1;
	v0 =	vand.u32 @!p1 $0x7, v0  }
0x2c: {  	v0 =	vor.u32 @!p1 v0, v1;
	v1 =	vand.u32 @!p1 $0x7, v2;
	v2 =	vshrl.u32 @!p1 v2, $0x3  }
0x2d: {  	v0 =	vperm.xlane @!p1 v0, v1;
	v1 =	vmul.u32 @!p1 $0x8, v2;
	_ =	sdelay $0x1  }
0x2e: {  	v0 =	vadd.s32 @!p1 v1, v0;
	_ =	sdelay $0x3  }
0x2f: {  	s12 =	simm.s32 @!p1 $0x80  }
0x30: {  	[tilespmem:s12], [sflag:$0x1] =	stream.indirect_vreg.gather @!p1 [hbm4b:s3+s10], $0x80, v0, vm3, $0xb8;
	[tilespmem:$0xC80] =	vst v63  }
0x31: {  	s13 =	simm.s32 @!p1 $0x880  }
0x32: {  	[tilespmem:s13], [sflag:$0x1] =	stream.indirect_vreg.gather @!p1 [hbm4b:s7+s10], $0x80, v0, vm2, $0xb8;
	[tilespmem:$0xC80] =	vst v63  }
0x33: {  	s13 =	simm.s32 @!p1 $0x1  }
0x34: {  	s9 =	sadd.s32 $0xFFFFFFFF, s9;
	_ =	swait.ge @!p1 [sflag:s13], $0xC00  }
0x35: {  	p2 =	sne.s32 s9, $0x0;
	[sflag:s13] =	ssyncset.done @!p1 $0x0  }
.Ltmp0:
0x36: {  	[sflag:s13] =	ssyncadd.s32 @!p1 $0xFFFFF400;
	(pc) =	sbr.rel @p2 .LBB2_1-.Ltmp0, $4  }
0x37: {  	[hbm4b:s8+s10] =	stream.linear.scatter @!p1 [tilespmem:s12], [sflag:$0x2], $0xC00, $0x38;
	[tilespmem:$0xC80] =	vst v63  }
0x38: {  	_ =	swait.ge @!p1 [sflag:s11], $0xC00  }
0x39: {  	[sflag:s11] =	ssyncset.done @!p1 $0x0  }
0x3a: {  	[sflag:s11] =	ssyncadd.s32 @!p1 $0xFFFFF400  }
0x3b: {  	_ =	sfence.sel $0x180000  }
0x3c: {  	[bflag:$0x0] =	sbarrier.arrive $0xFFFF  }
0x3d: {  	p0 =	sne.s32 s0, $0x0;
	_ =	strace $0x90000047  }
0x3e: {  	s0 =	sadd.s32 @!p0 $0x100000, s2;
	[bflag:$0x2] =	sbarrier.arrive $0xFFFF  }
0x3f: {  	[sflag:s0] =	ssyncadd.tile.s32 @!p0 $0x1;
	_ =	shalt  }
.Lfunc_end2:
_tile_overlayer_lowered:
.L_overlay_start_2:
0x40: {  	(tag) =	ssettag $0x2  }
0x41: {  	s0 =	rddreg [dreg:$0x0];
	s2 =	stileid.u32  }
0x42: {  	s1 =	rddreg [dreg:$0x1];
	p0 =	sne.s32 s2, $0x0  }
0x43: {  	s3 =	rddreg [dreg:$0x2];
	[bflag:$0x3] =	sbarrier.arrive $0xFFFF;
	s2 =	simm.s32 @!p0 $0x1C02  }
0x44: {  	[timem:s3], [sflag:s2] =	dma.local @!p0 [hbm:s0], s1  }
0x45: {  	s0 =	simm.s32 @!p0 $0x2  }
0x46: {  	_ =	swait.ge @!p0 [sflag:s0], s1  }
0x47: {  	s1 =	ssub.s32 @!p0 $0x0, s1;
	[sflag:s0] =	ssyncset.done @!p0 $0x0  }
0x48: {  	[sflag:s0] =	ssyncadd.s32 @!p0 s1  }
0x49: {  	[bflag:$0x3] =	sbarrier.arrive $0xFFFF  }
0x4a: {  	_ =	shalt  }

</sc_bundles>
